<compile_context>
chip_gen: v7x
topology: tpu7x:2x2x1
jax: 0.10.2.dev20260603
libtpu: 0.0.44.dev20260713+nightly
codegen_flags: <defaults>
</compile_context>

<pallas_src>
import jax
import jax.numpy as jnp
from jax import lax
from jax.experimental import pallas as pl
from jax.experimental.pallas import tpu as pltpu
from jax.experimental.pallas import tpu_sc as plsc

N = 10000
E = 320000
D = 128
DH = D // 2
NS = 16
B = 125
W = E // NS // B
NBUF = 6
ROWS_PER_TILE = N // NS
ZROWS = 125
WMAIN = ((W - 3 - 4) // NBUF) * NBUF


def _body(x2_hbm, col_hbm, row_hbm, out_hbm,
          acc_sh, colbuf, rowbuf, msg,
          gsem0, gsem1, gsem2, gsem3, gsem4, gsem5,
          ssem0, ssem1, ssem2, ssem3, ssem4, ssem5):
    c = lax.axis_index("c")
    s = lax.axis_index("s")
    r0 = s * ROWS_PER_TILE
    c0 = c * DH

    pltpu.async_copy(col_hbm.at[c, pl.ds(s * W, W)], colbuf, gsem0)
    pltpu.async_copy(row_hbm.at[pl.ds(s * W, W)], rowbuf, gsem1)

    zeros16 = jnp.zeros((16,), jnp.float32)

    def _zero_row(r, carry):
        for k in range(DH // 16):
            msg[0, r, pl.ds(k * 16, 16)] = zeros16
        return carry

    lax.fori_loop(0, ZROWS, _zero_row, 0)
    for b in range(ROWS_PER_TILE // ZROWS):
        pltpu.sync_copy(msg.at[0], acc_sh.at[pl.ds(r0 + b * ZROWS, ZROWS)])

    pltpu.make_async_copy(col_hbm.at[c, pl.ds(s * W, W)], colbuf,
                          gsem0).wait()
    pltpu.make_async_copy(row_hbm.at[pl.ds(s * W, W)], rowbuf,
                          gsem1).wait()

    gsems = (gsem0, gsem1, gsem2, gsem3, gsem4, gsem5)
    ssems = (ssem0, ssem1, ssem2, ssem3, ssem4, ssem5)

    def _start_gather(w, q):
        pltpu.async_copy(x2_hbm.at[colbuf.at[w]], msg.at[q], gsems[q])

    def _wait_gather(w, q):
        pltpu.make_async_copy(x2_hbm.at[colbuf.at[w]], msg.at[q],
                              gsems[q]).wait()

    def _start_scatter(w, q):
        pltpu.async_copy(msg.at[q], acc_sh.at[rowbuf.at[w]], ssems[q],
                         add=True)

    def _wait_scatter(w, q):
        pltpu.make_async_copy(msg.at[q], acc_sh.at[rowbuf.at[w]],
                              ssems[q]).wait()

    for w in range(6):
        _start_gather(w, w % NBUF)

    plsc.subcore_barrier()

    for w in range(3):
        _wait_gather(w, w % NBUF)
        _start_scatter(w, w % NBUF)

    def _hex(o, carry):
        wbase = NBUF * o + 3
        for i in range(NBUF):
            w = wbase + i
            q = (3 + i) % NBUF
            qn = i % NBUF
            _wait_gather(w, q)
            _start_scatter(w, q)
            _wait_scatter(w - 3, qn)
            _start_gather(w + 3, qn)
        return carry

    lax.fori_loop(0, WMAIN // NBUF, _hex, 0)
    for w in range(3 + WMAIN, W - 3):
        _wait_gather(w, w % NBUF)
        _start_scatter(w, w % NBUF)
        _wait_scatter(w - 3, (w - 3) % NBUF)
        _start_gather(w + 3, (w + 3) % NBUF)
    for w in range(W - 3, W):
        _wait_gather(w, w % NBUF)
        _start_scatter(w, w % NBUF)
        _wait_scatter(w - 3, (w - 3) % NBUF)
    for w in range(W - 3, W):
        _wait_scatter(w, w % NBUF)

    plsc.subcore_barrier()

    pltpu.sync_copy(acc_sh.at[pl.ds(r0, ROWS_PER_TILE)],
                    out_hbm.at[pl.ds(r0, ROWS_PER_TILE), pl.ds(c0, DH)])


@jax.jit
def kernel(x, edge_index):
    x2 = jnp.concatenate([x[:, :DH], x[:, DH:]], axis=0)
    col2 = edge_index[1].reshape(E // B, B)
    col3 = jnp.stack([col2, col2 + N])
    row2 = edge_index[0].reshape(E // B, B)

    mesh = plsc.VectorSubcoreMesh(core_axis_name="c", subcore_axis_name="s")
    out = pl.kernel(
        _body,
        out_type=jax.ShapeDtypeStruct((N, D), jnp.float32),
        mesh=mesh,
        scratch_types=[
            pltpu.VMEM_SHARED((N, DH), jnp.float32),
            pltpu.VMEM((W, B), jnp.int32),
            pltpu.VMEM((W, B), jnp.int32),
            pltpu.VMEM((NBUF, B, DH), jnp.float32),
            pltpu.SemaphoreType.DMA,
            pltpu.SemaphoreType.DMA,
            pltpu.SemaphoreType.DMA,
            pltpu.SemaphoreType.DMA,
            pltpu.SemaphoreType.DMA,
            pltpu.SemaphoreType.DMA,
            pltpu.SemaphoreType.DMA,
            pltpu.SemaphoreType.DMA,
            pltpu.SemaphoreType.DMA,
            pltpu.SemaphoreType.DMA,
            pltpu.SemaphoreType.DMA,
            pltpu.SemaphoreType.DMA,
        ],
        compiler_params=pltpu.CompilerParams(use_tc_tiling_on_sc=False),
    )(x2, col3, row2)
    return out

# --- scband reference (transcript-rebuilt; emitter-appended) ---
"""Pipeline reference for scband-message-passing-68848325755642 (READ-ONLY COPY).

The authoritative reference and input builder live on the scoring server;
editing this copy changes nothing except your own understanding.
"""

import jax, jax.numpy as jnp
import numpy as np

N = 10000
E = 320000
D = 128


def setup_inputs(seed: int = 0) -> dict:
    key = jax.random.key(seed)
    k1, k2 = jax.random.split(key)
    x = jax.random.normal(k1, (N, D), dtype=jnp.float32)
    edge_index = jax.random.randint(k2, (2, E), 0, N, dtype=jnp.int32)
    return {"x": x, "edge_index": edge_index}


def reference(x, edge_index):
    # MessagePassing.propagate with aggr='add':
    #   row, col = edge_index
    #   message(x_j) -> x[col]  (gather source-node features per edge)
    #   scatter_('add', out, row, dim_size=N)  (scatter-add into dst nodes)
    #   update(aggr_out) -> identity
    row = edge_index[0]
    col = edge_index[1]
    msg = jnp.take(x, col, axis=0)
    out = jax.ops.segment_sum(msg, row, num_segments=x.shape[0])
    return out

if __name__ == "__main__":
    import jax
    _d = setup_inputs()
    print(jax.jit(kernel)(*tuple(_d.values())))

</pallas_src>

<mosaic_0001>
#map = affine_map<(d0, d1) -> (0, 0)>
#map1 = affine_map<(d0, d1) -> (0, 0, 0)>
module attributes {stable_mosaic.version = 14 : i64} {
  func.func @_body(%arg0: i32, %arg1: i32, %arg2: memref<20000x64xf32, #tpu.memory_space<hbm>>, %arg3: memref<2x2560x125xi32, #tpu.memory_space<hbm>>, %arg4: memref<2560x125xi32, #tpu.memory_space<hbm>>, %arg5: memref<10000x128xf32, #tpu.memory_space<hbm>>, %arg6: memref<10000x64xf32, #tpu.memory_space<vmem_shared>>, %arg7: memref<160x125xi32, #tpu.memory_space<vmem>>, %arg8: memref<160x125xi32, #tpu.memory_space<vmem>>, %arg9: memref<6x125x64xf32, #tpu.memory_space<vmem>>, %arg10: memref<!tpu.dma_semaphore, #tpu.memory_space<semaphore_mem>>, %arg11: memref<!tpu.dma_semaphore, #tpu.memory_space<semaphore_mem>>, %arg12: memref<!tpu.dma_semaphore, #tpu.memory_space<semaphore_mem>>, %arg13: memref<!tpu.dma_semaphore, #tpu.memory_space<semaphore_mem>>, %arg14: memref<!tpu.dma_semaphore, #tpu.memory_space<semaphore_mem>>, %arg15: memref<!tpu.dma_semaphore, #tpu.memory_space<semaphore_mem>>, %arg16: memref<!tpu.dma_semaphore, #tpu.memory_space<semaphore_mem>>, %arg17: memref<!tpu.dma_semaphore, #tpu.memory_space<semaphore_mem>>, %arg18: memref<!tpu.dma_semaphore, #tpu.memory_space<semaphore_mem>>, %arg19: memref<!tpu.dma_semaphore, #tpu.memory_space<semaphore_mem>>, %arg20: memref<!tpu.dma_semaphore, #tpu.memory_space<semaphore_mem>>, %arg21: memref<!tpu.dma_semaphore, #tpu.memory_space<semaphore_mem>>) attributes {dimension_semantics = [#tpu.dimension_semantics<core_parallel>, #tpu.dimension_semantics<subcore_parallel>], iteration_bounds = array<i64: 2, 16>, scalar_prefetch = 0 : i64, scratch_operands = 16 : i64, tpu.core_type = #tpu.core_type<sc_vector_subcore>, window_params = [{transform_indices = #map}, {transform_indices = #map1}, {transform_indices = #map}, {transform_indices = #map}]} {
    %mul3A = arith.constant 625 : i32
    %mul3A_0 = arith.muli %arg1, %mul3A : i32
    %mul3A_1 = arith.constant 64 : i32
    %mul3A_2 = arith.muli %arg0, %mul3A_1 : i32
    %mul3A_3 = arith.constant 160 : i32
    %mul3A_4 = arith.muli %arg1, %mul3A_3 : i32
    %dma_start3A = arith.constant 0 : i32
    %dma_start3A_5 = tpu.memref_slice %arg3[%arg0, %mul3A_4, %dma_start3A] : memref<2x2560x125xi32, #tpu.memory_space<hbm>> -> memref<1x160x125xi32, #tpu.memory_space<hbm>>
    %dma_start3A_6 = tpu.memref_squeeze %dma_start3A_5 : memref<1x160x125xi32, #tpu.memory_space<hbm>> -> memref<160x125xi32, #tpu.memory_space<hbm>>
    %dma_start3A_7 = arith.constant 0 : i32
    %dma_start3A_8 = tpu.memref_slice %arg3[%arg0, %mul3A_4, %dma_start3A_7] : memref<2x2560x125xi32, #tpu.memory_space<hbm>> -> memref<1x160x125xi32, #tpu.memory_space<hbm>>
    %dma_start3A_9 = tpu.memref_squeeze %dma_start3A_8 : memref<1x160x125xi32, #tpu.memory_space<hbm>> -> memref<160x125xi32, #tpu.memory_space<hbm>>
    tpu.enqueue_dma source(%dma_start3A_9 : memref<160x125xi32, #tpu.memory_space<hbm>>) target(%arg7 : memref<160x125xi32, #tpu.memory_space<vmem>>) target_semaphore(%arg10 : memref<!tpu.dma_semaphore, #tpu.memory_space<semaphore_mem>>)
    %mul3A_10 = arith.constant 160 : i32
    %mul3A_11 = arith.muli %arg1, %mul3A_10 : i32
    %dma_start3A_12 = arith.constant 0 : i32
    %dma_start3A_13 = tpu.memref_slice %arg4[%mul3A_11, %dma_start3A_12] : memref<2560x125xi32, #tpu.memory_space<hbm>> -> memref<160x125xi32, #tpu.memory_space<hbm>>
    %dma_start3A_14 = arith.constant 0 : i32
    %dma_start3A_15 = tpu.memref_slice %arg4[%mul3A_11, %dma_start3A_14] : memref<2560x125xi32, #tpu.memory_space<hbm>> -> memref<160x125xi32, #tpu.memory_space<hbm>>
    tpu.enqueue_dma source(%dma_start3A_15 : memref<160x125xi32, #tpu.memory_space<hbm>>) target(%arg8 : memref<160x125xi32, #tpu.memory_space<vmem>>) target_semaphore(%arg11 : memref<!tpu.dma_semaphore, #tpu.memory_space<semaphore_mem>>)
    %broadcast_in_dim3A = arith.constant 0.000000e+00 : f32
    %broadcast_in_dim3A_16 = vector.broadcast %broadcast_in_dim3A : f32 to vector<16xf32>
    %scan3A = arith.constant 0 : i32
    %scan3A_17 = arith.constant 0 : i32
    %scan3A_18 = arith.constant 125 : i32
    %scan3A_19 = arith.addi %scan3A_17, %scan3A_18 : i32
    %scan3A_20 = arith.constant 1 : i32
    scf.for %scan3A_535 = %scan3A_17 to %scan3A_19 step %scan3A_20  : i32 {
      %swap3A = arith.constant 0 : i32
      %swap3A_536 = arith.index_cast %swap3A : i32 to index
      %swap3A_537 = arith.index_cast %scan3A_535 : i32 to index
      %swap3A_538 = arith.constant 0 : index
      %swap3A_539 = tpu.vector_load %arg9[%swap3A_536, %swap3A_537, %swap3A_538] {strides = array<i32>} : memref<6x125x64xf32, #tpu.memory_space<vmem>>, vector<1x1x16xf32>,
      %swap3A_540 = vector.shape_cast %swap3A_539 : vector<1x1x16xf32> to vector<16xf32>
      %swap3A_541 = vector.shape_cast %broadcast_in_dim3A_16 : vector<16xf32> to vector<1x1x16xf32>
      tpu.vector_store %arg9[%swap3A_536, %swap3A_537, %swap3A_538], %swap3A_541 {strides = array<i32>} : memref<6x125x64xf32, #tpu.memory_space<vmem>>, vector<1x1x16xf32>,
      %swap3A_542 = arith.constant 0 : i32
      %swap3A_543 = arith.index_cast %swap3A_542 : i32 to index
      %swap3A_544 = arith.index_cast %scan3A_535 : i32 to index
      %swap3A_545 = arith.constant 16 : index
      %swap3A_546 = tpu.vector_load %arg9[%swap3A_543, %swap3A_544, %swap3A_545] {strides = array<i32>} : memref<6x125x64xf32, #tpu.memory_space<vmem>>, vector<1x1x16xf32>,
      %swap3A_547 = vector.shape_cast %swap3A_546 : vector<1x1x16xf32> to vector<16xf32>
      %swap3A_548 = vector.shape_cast %broadcast_in_dim3A_16 : vector<16xf32> to vector<1x1x16xf32>
      tpu.vector_store %arg9[%swap3A_543, %swap3A_544, %swap3A_545], %swap3A_548 {strides = array<i32>} : memref<6x125x64xf32, #tpu.memory_space<vmem>>, vector<1x1x16xf32>,
      %swap3A_549 = arith.constant 0 : i32
      %swap3A_550 = arith.index_cast %swap3A_549 : i32 to index
      %swap3A_551 = arith.index_cast %scan3A_535 : i32 to index
      %swap3A_552 = arith.constant 32 : index
      %swap3A_553 = tpu.vector_load %arg9[%swap3A_550, %swap3A_551, %swap3A_552] {strides = array<i32>} : memref<6x125x64xf32, #tpu.memory_space<vmem>>, vector<1x1x16xf32>,
      %swap3A_554 = vector.shape_cast %swap3A_553 : vector<1x1x16xf32> to vector<16xf32>
      %swap3A_555 = vector.shape_cast %broadcast_in_dim3A_16 : vector<16xf32> to vector<1x1x16xf32>
      tpu.vector_store %arg9[%swap3A_550, %swap3A_551, %swap3A_552], %swap3A_555 {strides = array<i32>} : memref<6x125x64xf32, #tpu.memory_space<vmem>>, vector<1x1x16xf32>,
      %swap3A_556 = arith.constant 0 : i32
      %swap3A_557 = arith.index_cast %swap3A_556 : i32 to index
      %swap3A_558 = arith.index_cast %scan3A_535 : i32 to index
      %swap3A_559 = arith.constant 48 : index
      %swap3A_560 = tpu.vector_load %arg9[%swap3A_557, %swap3A_558, %swap3A_559] {strides = array<i32>} : memref<6x125x64xf32, #tpu.memory_space<vmem>>, vector<1x1x16xf32>,
      %swap3A_561 = vector.shape_cast %swap3A_560 : vector<1x1x16xf32> to vector<16xf32>
      %swap3A_562 = vector.shape_cast %broadcast_in_dim3A_16 : vector<16xf32> to vector<1x1x16xf32>
      tpu.vector_store %arg9[%swap3A_557, %swap3A_558, %swap3A_559], %swap3A_562 {strides = array<i32>} : memref<6x125x64xf32, #tpu.memory_space<vmem>>, vector<1x1x16xf32>,
    }
    %scan3A_21 = arith.constant 125 : i32
    %add3A = arith.constant 0 : i32
    %add3A_22 = arith.addi %mul3A_0, %add3A : i32
    %run_scoped3A = arith.constant 0 : i32
    "tpu.region"() ({
      %run_scoped3A_535 = tpu.sem_alloc : memref<!tpu.dma_semaphore, #tpu.memory_space<semaphore_mem>>
      %dma_start3A_536 = arith.constant 0 : i32
      %dma_start3A_537 = arith.constant 0 : i32
      %dma_start3A_538 = tpu.memref_slice %arg9[%run_scoped3A, %dma_start3A_536, %dma_start3A_537] : memref<6x125x64xf32, #tpu.memory_space<vmem>> -> memref<1x125x64xf32, #tpu.memory_space<vmem>>
      %dma_start3A_539 = tpu.memref_squeeze %dma_start3A_538 : memref<1x125x64xf32, #tpu.memory_space<vmem>> -> memref<125x64xf32, #tpu.memory_space<vmem>>
      %dma_start3A_540 = arith.constant 0 : i32
      %dma_start3A_541 = tpu.memref_slice %arg6[%add3A_22, %dma_start3A_540] : memref<10000x64xf32, #tpu.memory_space<vmem_shared>> -> memref<125x64xf32, #tpu.memory_space<vmem_shared>>
      %dma_start3A_542 = arith.constant 0 : i32
      %dma_start3A_543 = tpu.memref_slice %arg6[%add3A_22, %dma_start3A_542] : memref<10000x64xf32, #tpu.memory_space<vmem_shared>> -> memref<125x64xf32, #tpu.memory_space<vmem_shared>>
      %dma_start3A_544 = arith.constant 0 : i32
      %dma_start3A_545 = arith.constant 0 : i32
      %dma_start3A_546 = tpu.memref_slice %arg9[%run_scoped3A, %dma_start3A_544, %dma_start3A_545] : memref<6x125x64xf32, #tpu.memory_space<vmem>> -> memref<1x125x64xf32, #tpu.memory_space<vmem>>
      %dma_start3A_547 = tpu.memref_squeeze %dma_start3A_546 : memref<1x125x64xf32, #tpu.memory_space<vmem>> -> memref<125x64xf32, #tpu.memory_space<vmem>>
      tpu.enqueue_dma source(%dma_start3A_547 : memref<125x64xf32, #tpu.memory_space<vmem>>) target(%dma_start3A_543 : memref<125x64xf32, #tpu.memory_space<vmem_shared>>) target_semaphore(%run_scoped3A_535 : memref<!tpu.dma_semaphore, #tpu.memory_space<semaphore_mem>>)
      %dma_wait3A_548 = arith.constant 0 : i32
      %dma_wait3A_549 = arith.constant 0 : i32
      %dma_wait3A_550 = tpu.memref_slice %arg9[%run_scoped3A, %dma_wait3A_548, %dma_wait3A_549] : memref<6x125x64xf32, #tpu.memory_space<vmem>> -> memref<1x125x64xf32, #tpu.memory_space<vmem>>
      %dma_wait3A_551 = tpu.memref_squeeze %dma_wait3A_550 : memref<1x125x64xf32, #tpu.memory_space<vmem>> -> memref<125x64xf32, #tpu.memory_space<vmem>>
      %dma_wait3A_552 = arith.constant 0 : i32
      %dma_wait3A_553 = tpu.memref_slice %arg6[%add3A_22, %dma_wait3A_552] : memref<10000x64xf32, #tpu.memory_space<vmem_shared>> -> memref<125x64xf32, #tpu.memory_space<vmem_shared>>
      %dma_wait3A_554 = arith.constant 0 : i32
      %dma_wait3A_555 = tpu.memref_slice %arg6[%add3A_22, %dma_wait3A_554] : memref<10000x64xf32, #tpu.memory_space<vmem_shared>> -> memref<125x64xf32, #tpu.memory_space<vmem_shared>>
      %dma_wait3A_556 = arith.constant 0 : i32
      %dma_wait3A_557 = arith.constant 0 : i32
      %dma_wait3A_558 = tpu.memref_slice %arg9[%run_scoped3A, %dma_wait3A_556, %dma_wait3A_557] : memref<6x125x64xf32, #tpu.memory_space<vmem>> -> memref<1x125x64xf32, #tpu.memory_space<vmem>>
      %dma_wait3A_559 = tpu.memref_squeeze %dma_wait3A_558 : memref<1x125x64xf32, #tpu.memory_space<vmem>> -> memref<125x64xf32, #tpu.memory_space<vmem>>
      tpu.wait_dma2 semaphore(%run_scoped3A_535 : memref<!tpu.dma_semaphore, #tpu.memory_space<semaphore_mem>>) src(%dma_wait3A_559 : memref<125x64xf32, #tpu.memory_space<vmem>>) dst(%dma_wait3A_555 : memref<125x64xf32, #tpu.memory_space<vmem_shared>>)
      tpu.yield
    }) : () -> ()
    %add3A_23 = arith.constant 125 : i32
    %add3A_24 = arith.addi %mul3A_0, %add3A_23 : i32
    %run_scoped3A_25 = arith.constant 0 : i32
    "tpu.region"() ({
      %run_scoped3A_535 = tpu.sem_alloc : memref<!tpu.dma_semaphore, #tpu.memory_space<semaphore_mem>>
      %dma_start3A_536 = arith.constant 0 : i32
      %dma_start3A_537 = arith.constant 0 : i32
      %dma_start3A_538 = tpu.memref_slice %arg9[%run_scoped3A_25, %dma_start3A_536, %dma_start3A_537] : memref<6x125x64xf32, #tpu.memory_space<vmem>> -> memref<1x125x64xf32, #tpu.memory_space<vmem>>
      %dma_start3A_539 = tpu.memref_squeeze %dma_start3A_538 : memref<1x125x64xf32, #tpu.memory_space<vmem>> -> memref<125x64xf32, #tpu.memory_space<vmem>>
      %dma_start3A_540 = arith.constant 0 : i32
      %dma_start3A_541 = tpu.memref_slice %arg6[%add3A_24, %dma_start3A_540] : memref<10000x64xf32, #tpu.memory_space<vmem_shared>> -> memref<125x64xf32, #tpu.memory_space<vmem_shared>>
      %dma_start3A_542 = arith.constant 0 : i32
      %dma_start3A_543 = tpu.memref_slice %arg6[%add3A_24, %dma_start3A_542] : memref<10000x64xf32, #tpu.memory_space<vmem_shared>> -> memref<125x64xf32, #tpu.memory_space<vmem_shared>>
      %dma_start3A_544 = arith.constant 0 : i32
      %dma_start3A_545 = arith.constant 0 : i32
      %dma_start3A_546 = tpu.memref_slice %arg9[%run_scoped3A_25, %dma_start3A_544, %dma_start3A_545] : memref<6x125x64xf32, #tpu.memory_space<vmem>> -> memref<1x125x64xf32, #tpu.memory_space<vmem>>
      %dma_start3A_547 = tpu.memref_squeeze %dma_start3A_546 : memref<1x125x64xf32, #tpu.memory_space<vmem>> -> memref<125x64xf32, #tpu.memory_space<vmem>>
      tpu.enqueue_dma source(%dma_start3A_547 : memref<125x64xf32, #tpu.memory_space<vmem>>) target(%dma_start3A_543 : memref<125x64xf32, #tpu.memory_space<vmem_shared>>) target_semaphore(%run_scoped3A_535 : memref<!tpu.dma_semaphore, #tpu.memory_space<semaphore_mem>>)
      %dma_wait3A_548 = arith.constant 0 : i32
      %dma_wait3A_549 = arith.constant 0 : i32
      %dma_wait3A_550 = tpu.memref_slice %arg9[%run_scoped3A_25, %dma_wait3A_548, %dma_wait3A_549] : memref<6x125x64xf32, #tpu.memory_space<vmem>> -> memref<1x125x64xf32, #tpu.memory_space<vmem>>
      %dma_wait3A_551 = tpu.memref_squeeze %dma_wait3A_550 : memref<1x125x64xf32, #tpu.memory_space<vmem>> -> memref<125x64xf32, #tpu.memory_space<vmem>>
      %dma_wait3A_552 = arith.constant 0 : i32
      %dma_wait3A_553 = tpu.memref_slice %arg6[%add3A_24, %dma_wait3A_552] : memref<10000x64xf32, #tpu.memory_space<vmem_shared>> -> memref<125x64xf32, #tpu.memory_space<vmem_shared>>
      %dma_wait3A_554 = arith.constant 0 : i32
      %dma_wait3A_555 = tpu.memref_slice %arg6[%add3A_24, %dma_wait3A_554] : memref<10000x64xf32, #tpu.memory_space<vmem_shared>> -> memref<125x64xf32, #tpu.memory_space<vmem_shared>>
      %dma_wait3A_556 = arith.constant 0 : i32
      %dma_wait3A_557 = arith.constant 0 : i32
      %dma_wait3A_558 = tpu.memref_slice %arg9[%run_scoped3A_25, %dma_wait3A_556, %dma_wait3A_557] : memref<6x125x64xf32, #tpu.memory_space<vmem>> -> memref<1x125x64xf32, #tpu.memory_space<vmem>>
      %dma_wait3A_559 = tpu.memref_squeeze %dma_wait3A_558 : memref<1x125x64xf32, #tpu.memory_space<vmem>> -> memref<125x64xf32, #tpu.memory_space<vmem>>
      tpu.wait_dma2 semaphore(%run_scoped3A_535 : memref<!tpu.dma_semaphore, #tpu.memory_space<semaphore_mem>>) src(%dma_wait3A_559 : memref<125x64xf32, #tpu.memory_space<vmem>>) dst(%dma_wait3A_555 : memref<125x64xf32, #tpu.memory_space<vmem_shared>>)
      tpu.yield
    }) : () -> ()
    %add3A_26 = arith.constant 250 : i32
    %add3A_27 = arith.addi %mul3A_0, %add3A_26 : i32
    %run_scoped3A_28 = arith.constant 0 : i32
    "tpu.region"() ({
      %run_scoped3A_535 = tpu.sem_alloc : memref<!tpu.dma_semaphore, #tpu.memory_space<semaphore_mem>>
      %dma_start3A_536 = arith.constant 0 : i32
      %dma_start3A_537 = arith.constant 0 : i32
      %dma_start3A_538 = tpu.memref_slice %arg9[%run_scoped3A_28, %dma_start3A_536, %dma_start3A_537] : memref<6x125x64xf32, #tpu.memory_space<vmem>> -> memref<1x125x64xf32, #tpu.memory_space<vmem>>
      %dma_start3A_539 = tpu.memref_squeeze %dma_start3A_538 : memref<1x125x64xf32, #tpu.memory_space<vmem>> -> memref<125x64xf32, #tpu.memory_space<vmem>>
      %dma_start3A_540 = arith.constant 0 : i32
      %dma_start3A_541 = tpu.memref_slice %arg6[%add3A_27, %dma_start3A_540] : memref<10000x64xf32, #tpu.memory_space<vmem_shared>> -> memref<125x64xf32, #tpu.memory_space<vmem_shared>>
      %dma_start3A_542 = arith.constant 0 : i32
      %dma_start3A_543 = tpu.memref_slice %arg6[%add3A_27, %dma_start3A_542] : memref<10000x64xf32, #tpu.memory_space<vmem_shared>> -> memref<125x64xf32, #tpu.memory_space<vmem_shared>>
      %dma_start3A_544 = arith.constant 0 : i32
      %dma_start3A_545 = arith.constant 0 : i32
      %dma_start3A_546 = tpu.memref_slice %arg9[%run_scoped3A_28, %dma_start3A_544, %dma_start3A_545] : memref<6x125x64xf32, #tpu.memory_space<vmem>> -> memref<1x125x64xf32, #tpu.memory_space<vmem>>
      %dma_start3A_547 = tpu.memref_squeeze %dma_start3A_546 : memref<1x125x64xf32, #tpu.memory_space<vmem>> -> memref<125x64xf32, #tpu.memory_space<vmem>>
      tpu.enqueue_dma source(%dma_start3A_547 : memref<125x64xf32, #tpu.memory_space<vmem>>) target(%dma_start3A_543 : memref<125x64xf32, #tpu.memory_space<vmem_shared>>) target_semaphore(%run_scoped3A_535 : memref<!tpu.dma_semaphore, #tpu.memory_space<semaphore_mem>>)
      %dma_wait3A_548 = arith.constant 0 : i32
      %dma_wait3A_549 = arith.constant 0 : i32
      %dma_wait3A_550 = tpu.memref_slice %arg9[%run_scoped3A_28, %dma_wait3A_548, %dma_wait3A_549] : memref<6x125x64xf32, #tpu.memory_space<vmem>> -> memref<1x125x64xf32, #tpu.memory_space<vmem>>
      %dma_wait3A_551 = tpu.memref_squeeze %dma_wait3A_550 : memref<1x125x64xf32, #tpu.memory_space<vmem>> -> memref<125x64xf32, #tpu.memory_space<vmem>>
      %dma_wait3A_552 = arith.constant 0 : i32
      %dma_wait3A_553 = tpu.memref_slice %arg6[%add3A_27, %dma_wait3A_552] : memref<10000x64xf32, #tpu.memory_space<vmem_shared>> -> memref<125x64xf32, #tpu.memory_space<vmem_shared>>
      %dma_wait3A_554 = arith.constant 0 : i32
      %dma_wait3A_555 = tpu.memref_slice %arg6[%add3A_27, %dma_wait3A_554] : memref<10000x64xf32, #tpu.memory_space<vmem_shared>> -> memref<125x64xf32, #tpu.memory_space<vmem_shared>>
      %dma_wait3A_556 = arith.constant 0 : i32
      %dma_wait3A_557 = arith.constant 0 : i32
      %dma_wait3A_558 = tpu.memref_slice %arg9[%run_scoped3A_28, %dma_wait3A_556, %dma_wait3A_557] : memref<6x125x64xf32, #tpu.memory_space<vmem>> -> memref<1x125x64xf32, #tpu.memory_space<vmem>>
      %dma_wait3A_559 = tpu.memref_squeeze %dma_wait3A_558 : memref<1x125x64xf32, #tpu.memory_space<vmem>> -> memref<125x64xf32, #tpu.memory_space<vmem>>
      tpu.wait_dma2 semaphore(%run_scoped3A_535 : memref<!tpu.dma_semaphore, #tpu.memory_space<semaphore_mem>>) src(%dma_wait3A_559 : memref<125x64xf32, #tpu.memory_space<vmem>>) dst(%dma_wait3A_555 : memref<125x64xf32, #tpu.memory_space<vmem_shared>>)
      tpu.yield
    }) : () -> ()
    %add3A_29 = arith.constant 375 : i32
    %add3A_30 = arith.addi %mul3A_0, %add3A_29 : i32
    %run_scoped3A_31 = arith.constant 0 : i32
    "tpu.region"() ({
      %run_scoped3A_535 = tpu.sem_alloc : memref<!tpu.dma_semaphore, #tpu.memory_space<semaphore_mem>>
      %dma_start3A_536 = arith.constant 0 : i32
      %dma_start3A_537 = arith.constant 0 : i32
      %dma_start3A_538 = tpu.memref_slice %arg9[%run_scoped3A_31, %dma_start3A_536, %dma_start3A_537] : memref<6x125x64xf32, #tpu.memory_space<vmem>> -> memref<1x125x64xf32, #tpu.memory_space<vmem>>
      %dma_start3A_539 = tpu.memref_squeeze %dma_start3A_538 : memref<1x125x64xf32, #tpu.memory_space<vmem>> -> memref<125x64xf32, #tpu.memory_space<vmem>>
      %dma_start3A_540 = arith.constant 0 : i32
      %dma_start3A_541 = tpu.memref_slice %arg6[%add3A_30, %dma_start3A_540] : memref<10000x64xf32, #tpu.memory_space<vmem_shared>> -> memref<125x64xf32, #tpu.memory_space<vmem_shared>>
      %dma_start3A_542 = arith.constant 0 : i32
      %dma_start3A_543 = tpu.memref_slice %arg6[%add3A_30, %dma_start3A_542] : memref<10000x64xf32, #tpu.memory_space<vmem_shared>> -> memref<125x64xf32, #tpu.memory_space<vmem_shared>>
      %dma_start3A_544 = arith.constant 0 : i32
      %dma_start3A_545 = arith.constant 0 : i32
      %dma_start3A_546 = tpu.memref_slice %arg9[%run_scoped3A_31, %dma_start3A_544, %dma_start3A_545] : memref<6x125x64xf32, #tpu.memory_space<vmem>> -> memref<1x125x64xf32, #tpu.memory_space<vmem>>
      %dma_start3A_547 = tpu.memref_squeeze %dma_start3A_546 : memref<1x125x64xf32, #tpu.memory_space<vmem>> -> memref<125x64xf32, #tpu.memory_space<vmem>>
      tpu.enqueue_dma source(%dma_start3A_547 : memref<125x64xf32, #tpu.memory_space<vmem>>) target(%dma_start3A_543 : memref<125x64xf32, #tpu.memory_space<vmem_shared>>) target_semaphore(%run_scoped3A_535 : memref<!tpu.dma_semaphore, #tpu.memory_space<semaphore_mem>>)
      %dma_wait3A_548 = arith.constant 0 : i32
      %dma_wait3A_549 = arith.constant 0 : i32
      %dma_wait3A_550 = tpu.memref_slice %arg9[%run_scoped3A_31, %dma_wait3A_548, %dma_wait3A_549] : memref<6x125x64xf32, #tpu.memory_space<vmem>> -> memref<1x125x64xf32, #tpu.memory_space<vmem>>
      %dma_wait3A_551 = tpu.memref_squeeze %dma_wait3A_550 : memref<1x125x64xf32, #tpu.memory_space<vmem>> -> memref<125x64xf32, #tpu.memory_space<vmem>>
      %dma_wait3A_552 = arith.constant 0 : i32
      %dma_wait3A_553 = tpu.memref_slice %arg6[%add3A_30, %dma_wait3A_552] : memref<10000x64xf32, #tpu.memory_space<vmem_shared>> -> memref<125x64xf32, #tpu.memory_space<vmem_shared>>
      %dma_wait3A_554 = arith.constant 0 : i32
      %dma_wait3A_555 = tpu.memref_slice %arg6[%add3A_30, %dma_wait3A_554] : memref<10000x64xf32, #tpu.memory_space<vmem_shared>> -> memref<125x64xf32, #tpu.memory_space<vmem_shared>>
      %dma_wait3A_556 = arith.constant 0 : i32
      %dma_wait3A_557 = arith.constant 0 : i32
      %dma_wait3A_558 = tpu.memref_slice %arg9[%run_scoped3A_31, %dma_wait3A_556, %dma_wait3A_557] : memref<6x125x64xf32, #tpu.memory_space<vmem>> -> memref<1x125x64xf32, #tpu.memory_space<vmem>>
      %dma_wait3A_559 = tpu.memref_squeeze %dma_wait3A_558 : memref<1x125x64xf32, #tpu.memory_space<vmem>> -> memref<125x64xf32, #tpu.memory_space<vmem>>
      tpu.wait_dma2 semaphore(%run_scoped3A_535 : memref<!tpu.dma_semaphore, #tpu.memory_space<semaphore_mem>>) src(%dma_wait3A_559 : memref<125x64xf32, #tpu.memory_space<vmem>>) dst(%dma_wait3A_555 : memref<125x64xf32, #tpu.memory_space<vmem_shared>>)
      tpu.yield
    }) : () -> ()
    %add3A_32 = arith.constant 500 : i32
    %add3A_33 = arith.addi %mul3A_0, %add3A_32 : i32
    %run_scoped3A_34 = arith.constant 0 : i32
    "tpu.region"() ({
      %run_scoped3A_535 = tpu.sem_alloc : memref<!tpu.dma_semaphore, #tpu.memory_space<semaphore_mem>>
      %dma_start3A_536 = arith.constant 0 : i32
      %dma_start3A_537 = arith.constant 0 : i32
      %dma_start3A_538 = tpu.memref_slice %arg9[%run_scoped3A_34, %dma_start3A_536, %dma_start3A_537] : memref<6x125x64xf32, #tpu.memory_space<vmem>> -> memref<1x125x64xf32, #tpu.memory_space<vmem>>
      %dma_start3A_539 = tpu.memref_squeeze %dma_start3A_538 : memref<1x125x64xf32, #tpu.memory_space<vmem>> -> memref<125x64xf32, #tpu.memory_space<vmem>>
      %dma_start3A_540 = arith.constant 0 : i32
      %dma_start3A_541 = tpu.memref_slice %arg6[%add3A_33, %dma_start3A_540] : memref<10000x64xf32, #tpu.memory_space<vmem_shared>> -> memref<125x64xf32, #tpu.memory_space<vmem_shared>>
      %dma_start3A_542 = arith.constant 0 : i32
      %dma_start3A_543 = tpu.memref_slice %arg6[%add3A_33, %dma_start3A_542] : memref<10000x64xf32, #tpu.memory_space<vmem_shared>> -> memref<125x64xf32, #tpu.memory_space<vmem_shared>>
      %dma_start3A_544 = arith.constant 0 : i32
      %dma_start3A_545 = arith.constant 0 : i32
      %dma_start3A_546 = tpu.memref_slice %arg9[%run_scoped3A_34, %dma_start3A_544, %dma_start3A_545] : memref<6x125x64xf32, #tpu.memory_space<vmem>> -> memref<1x125x64xf32, #tpu.memory_space<vmem>>
      %dma_start3A_547 = tpu.memref_squeeze %dma_start3A_546 : memref<1x125x64xf32, #tpu.memory_space<vmem>> -> memref<125x64xf32, #tpu.memory_space<vmem>>
      tpu.enqueue_dma source(%dma_start3A_547 : memref<125x64xf32, #tpu.memory_space<vmem>>) target(%dma_start3A_543 : memref<125x64xf32, #tpu.memory_space<vmem_shared>>) target_semaphore(%run_scoped3A_535 : memref<!tpu.dma_semaphore, #tpu.memory_space<semaphore_mem>>)
      %dma_wait3A_548 = arith.constant 0 : i32
      %dma_wait3A_549 = arith.constant 0 : i32
      %dma_wait3A_550 = tpu.memref_slice %arg9[%run_scoped3A_34, %dma_wait3A_548, %dma_wait3A_549] : memref<6x125x64xf32, #tpu.memory_space<vmem>> -> memref<1x125x64xf32, #tpu.memory_space<vmem>>
      %dma_wait3A_551 = tpu.memref_squeeze %dma_wait3A_550 : memref<1x125x64xf32, #tpu.memory_space<vmem>> -> memref<125x64xf32, #tpu.memory_space<vmem>>
      %dma_wait3A_552 = arith.constant 0 : i32
      %dma_wait3A_553 = tpu.memref_slice %arg6[%add3A_33, %dma_wait3A_552] : memref<10000x64xf32, #tpu.memory_space<vmem_shared>> -> memref<125x64xf32, #tpu.memory_space<vmem_shared>>
      %dma_wait3A_554 = arith.constant 0 : i32
      %dma_wait3A_555 = tpu.memref_slice %arg6[%add3A_33, %dma_wait3A_554] : memref<10000x64xf32, #tpu.memory_space<vmem_shared>> -> memref<125x64xf32, #tpu.memory_space<vmem_shared>>
      %dma_wait3A_556 = arith.constant 0 : i32
      %dma_wait3A_557 = arith.constant 0 : i32
      %dma_wait3A_558 = tpu.memref_slice %arg9[%run_scoped3A_34, %dma_wait3A_556, %dma_wait3A_557] : memref<6x125x64xf32, #tpu.memory_space<vmem>> -> memref<1x125x64xf32, #tpu.memory_space<vmem>>
      %dma_wait3A_559 = tpu.memref_squeeze %dma_wait3A_558 : memref<1x125x64xf32, #tpu.memory_space<vmem>> -> memref<125x64xf32, #tpu.memory_space<vmem>>
      tpu.wait_dma2 semaphore(%run_scoped3A_535 : memref<!tpu.dma_semaphore, #tpu.memory_space<semaphore_mem>>) src(%dma_wait3A_559 : memref<125x64xf32, #tpu.memory_space<vmem>>) dst(%dma_wait3A_555 : memref<125x64xf32, #tpu.memory_space<vmem_shared>>)
      tpu.yield
    }) : () -> ()
    %mul3A_35 = arith.constant 160 : i32
    %mul3A_36 = arith.muli %arg1, %mul3A_35 : i32
    %dma_wait3A = arith.constant 0 : i32
    %dma_wait3A_37 = tpu.memref_slice %arg3[%arg0, %mul3A_36, %dma_wait3A] : memref<2x2560x125xi32, #tpu.memory_space<hbm>> -> memref<1x160x125xi32, #tpu.memory_space<hbm>>
    %dma_wait3A_38 = tpu.memref_squeeze %dma_wait3A_37 : memref<1x160x125xi32, #tpu.memory_space<hbm>> -> memref<160x125xi32, #tpu.memory_space<hbm>>
    %dma_wait3A_39 = arith.constant 0 : i32
    %dma_wait3A_40 = tpu.memref_slice %arg3[%arg0, %mul3A_36, %dma_wait3A_39] : memref<2x2560x125xi32, #tpu.memory_space<hbm>> -> memref<1x160x125xi32, #tpu.memory_space<hbm>>
    %dma_wait3A_41 = tpu.memref_squeeze %dma_wait3A_40 : memref<1x160x125xi32, #tpu.memory_space<hbm>> -> memref<160x125xi32, #tpu.memory_space<hbm>>
    tpu.wait_dma2 semaphore(%arg10 : memref<!tpu.dma_semaphore, #tpu.memory_space<semaphore_mem>>) src(%dma_wait3A_41 : memref<160x125xi32, #tpu.memory_space<hbm>>) dst(%arg7 : memref<160x125xi32, #tpu.memory_space<vmem>>)
    %mul3A_42 = arith.constant 160 : i32
    %mul3A_43 = arith.muli %arg1, %mul3A_42 : i32
    %dma_wait3A_44 = arith.constant 0 : i32
    %dma_wait3A_45 = tpu.memref_slice %arg4[%mul3A_43, %dma_wait3A_44] : memref<2560x125xi32, #tpu.memory_space<hbm>> -> memref<160x125xi32, #tpu.memory_space<hbm>>
    %dma_wait3A_46 = arith.constant 0 : i32
    %dma_wait3A_47 = tpu.memref_slice %arg4[%mul3A_43, %dma_wait3A_46] : memref<2560x125xi32, #tpu.memory_space<hbm>> -> memref<160x125xi32, #tpu.memory_space<hbm>>
    tpu.wait_dma2 semaphore(%arg11 : memref<!tpu.dma_semaphore, #tpu.memory_space<semaphore_mem>>) src(%dma_wait3A_47 : memref<160x125xi32, #tpu.memory_space<hbm>>) dst(%arg8 : memref<160x125xi32, #tpu.memory_space<vmem>>)
    %dma_start3A_48 = arith.constant 0 : i32
    %dma_start3A_49 = arith.constant 0 : i32
    %dma_start3A_50 = arith.constant 0 : i32
    %dma_start3A_51 = arith.constant 0 : i32
    %dma_start3A_52 = tpu.memref_slice %arg9[%dma_start3A_49, %dma_start3A_50, %dma_start3A_51] : memref<6x125x64xf32, #tpu.memory_space<vmem>> -> memref<1x125x64xf32, #tpu.memory_space<vmem>>
    %dma_start3A_53 = tpu.memref_squeeze %dma_start3A_52 : memref<1x125x64xf32, #tpu.memory_space<vmem>> -> memref<125x64xf32, #tpu.memory_space<vmem>>
    %dma_start3A_54 = arith.constant 0 : i32
    %dma_start3A_55 = tpu.memref_slice %arg7[%dma_start3A_48, %dma_start3A_54] : memref<160x125xi32, #tpu.memory_space<vmem>> -> memref<1x125xi32, #tpu.memory_space<vmem>>
    %dma_start3A_56 = tpu.memref_squeeze %dma_start3A_55 : memref<1x125xi32, #tpu.memory_space<vmem>> -> memref<125xi32, #tpu.memory_space<vmem>>
    %dma_start3A_57 = arith.constant 0 : i32
    %dma_start3A_58 = arith.constant 0 : i32
    %dma_start3A_59 = tpu.memref_slice %arg2[%dma_start3A_57, %dma_start3A_58] : memref<20000x64xf32, #tpu.memory_space<hbm>> -> memref<20000x64xf32, #tpu.memory_space<hbm>>
    tpu.enqueue_indirect_dma source(%dma_start3A_59 : memref<20000x64xf32, #tpu.memory_space<hbm>>) target(%dma_start3A_53 : memref<125x64xf32, #tpu.memory_space<vmem>>) offsets(%dma_start3A_56 : memref<125xi32, #tpu.memory_space<vmem>>) semaphore(%arg10 : memref<!tpu.dma_semaphore, #tpu.memory_space<semaphore_mem>>)
    %dma_start3A_60 = arith.constant 1 : i32
    %dma_start3A_61 = arith.constant 1 : i32
    %dma_start3A_62 = arith.constant 0 : i32
    %dma_start3A_63 = arith.constant 0 : i32
    %dma_start3A_64 = tpu.memref_slice %arg9[%dma_start3A_61, %dma_start3A_62, %dma_start3A_63] : memref<6x125x64xf32, #tpu.memory_space<vmem>> -> memref<1x125x64xf32, #tpu.memory_space<vmem>>
    %dma_start3A_65 = tpu.memref_squeeze %dma_start3A_64 : memref<1x125x64xf32, #tpu.memory_space<vmem>> -> memref<125x64xf32, #tpu.memory_space<vmem>>
    %dma_start3A_66 = arith.constant 0 : i32
    %dma_start3A_67 = tpu.memref_slice %arg7[%dma_start3A_60, %dma_start3A_66] : memref<160x125xi32, #tpu.memory_space<vmem>> -> memref<1x125xi32, #tpu.memory_space<vmem>>
    %dma_start3A_68 = tpu.memref_squeeze %dma_start3A_67 : memref<1x125xi32, #tpu.memory_space<vmem>> -> memref<125xi32, #tpu.memory_space<vmem>>
    %dma_start3A_69 = arith.constant 0 : i32
    %dma_start3A_70 = arith.constant 0 : i32
    %dma_start3A_71 = tpu.memref_slice %arg2[%dma_start3A_69, %dma_start3A_70] : memref<20000x64xf32, #tpu.memory_space<hbm>> -> memref<20000x64xf32, #tpu.memory_space<hbm>>
    tpu.enqueue_indirect_dma source(%dma_start3A_71 : memref<20000x64xf32, #tpu.memory_space<hbm>>) target(%dma_start3A_65 : memref<125x64xf32, #tpu.memory_space<vmem>>) offsets(%dma_start3A_68 : memref<125xi32, #tpu.memory_space<vmem>>) semaphore(%arg11 : memref<!tpu.dma_semaphore, #tpu.memory_space<semaphore_mem>>)
    %dma_start3A_72 = arith.constant 2 : i32
    %dma_start3A_73 = arith.constant 2 : i32
    %dma_start3A_74 = arith.constant 0 : i32
    %dma_start3A_75 = arith.constant 0 : i32
    %dma_start3A_76 = tpu.memref_slice %arg9[%dma_start3A_73, %dma_start3A_74, %dma_start3A_75] : memref<6x125x64xf32, #tpu.memory_space<vmem>> -> memref<1x125x64xf32, #tpu.memory_space<vmem>>
    %dma_start3A_77 = tpu.memref_squeeze %dma_start3A_76 : memref<1x125x64xf32, #tpu.memory_space<vmem>> -> memref<125x64xf32, #tpu.memory_space<vmem>>
    %dma_start3A_78 = arith.constant 0 : i32
    %dma_start3A_79 = tpu.memref_slice %arg7[%dma_start3A_72, %dma_start3A_78] : memref<160x125xi32, #tpu.memory_space<vmem>> -> memref<1x125xi32, #tpu.memory_space<vmem>>
    %dma_start3A_80 = tpu.memref_squeeze %dma_start3A_79 : memref<1x125xi32, #tpu.memory_space<vmem>> -> memref<125xi32, #tpu.memory_space<vmem>>
    %dma_start3A_81 = arith.constant 0 : i32
    %dma_start3A_82 = arith.constant 0 : i32
    %dma_start3A_83 = tpu.memref_slice %arg2[%dma_start3A_81, %dma_start3A_82] : memref<20000x64xf32, #tpu.memory_space<hbm>> -> memref<20000x64xf32, #tpu.memory_space<hbm>>
    tpu.enqueue_indirect_dma source(%dma_start3A_83 : memref<20000x64xf32, #tpu.memory_space<hbm>>) target(%dma_start3A_77 : memref<125x64xf32, #tpu.memory_space<vmem>>) offsets(%dma_start3A_80 : memref<125xi32, #tpu.memory_space<vmem>>) semaphore(%arg12 : memref<!tpu.dma_semaphore, #tpu.memory_space<semaphore_mem>>)
    %dma_start3A_84 = arith.constant 3 : i32
    %dma_start3A_85 = arith.constant 3 : i32
    %dma_start3A_86 = arith.constant 0 : i32
    %dma_start3A_87 = arith.constant 0 : i32
    %dma_start3A_88 = tpu.memref_slice %arg9[%dma_start3A_85, %dma_start3A_86, %dma_start3A_87] : memref<6x125x64xf32, #tpu.memory_space<vmem>> -> memref<1x125x64xf32, #tpu.memory_space<vmem>>
    %dma_start3A_89 = tpu.memref_squeeze %dma_start3A_88 : memref<1x125x64xf32, #tpu.memory_space<vmem>> -> memref<125x64xf32, #tpu.memory_space<vmem>>
    %dma_start3A_90 = arith.constant 0 : i32
    %dma_start3A_91 = tpu.memref_slice %arg7[%dma_start3A_84, %dma_start3A_90] : memref<160x125xi32, #tpu.memory_space<vmem>> -> memref<1x125xi32, #tpu.memory_space<vmem>>
    %dma_start3A_92 = tpu.memref_squeeze %dma_start3A_91 : memref<1x125xi32, #tpu.memory_space<vmem>> -> memref<125xi32, #tpu.memory_space<vmem>>
    %dma_start3A_93 = arith.constant 0 : i32
    %dma_start3A_94 = arith.constant 0 : i32
    %dma_start3A_95 = tpu.memref_slice %arg2[%dma_start3A_93, %dma_start3A_94] : memref<20000x64xf32, #tpu.memory_space<hbm>> -> memref<20000x64xf32, #tpu.memory_space<hbm>>
    tpu.enqueue_indirect_dma source(%dma_start3A_95 : memref<20000x64xf32, #tpu.memory_space<hbm>>) target(%dma_start3A_89 : memref<125x64xf32, #tpu.memory_space<vmem>>) offsets(%dma_start3A_92 : memref<125xi32, #tpu.memory_space<vmem>>) semaphore(%arg13 : memref<!tpu.dma_semaphore, #tpu.memory_space<semaphore_mem>>)
    %dma_start3A_96 = arith.constant 4 : i32
    %dma_start3A_97 = arith.constant 4 : i32
    %dma_start3A_98 = arith.constant 0 : i32
    %dma_start3A_99 = arith.constant 0 : i32
    %dma_start3A_100 = tpu.memref_slice %arg9[%dma_start3A_97, %dma_start3A_98, %dma_start3A_99] : memref<6x125x64xf32, #tpu.memory_space<vmem>> -> memref<1x125x64xf32, #tpu.memory_space<vmem>>
    %dma_start3A_101 = tpu.memref_squeeze %dma_start3A_100 : memref<1x125x64xf32, #tpu.memory_space<vmem>> -> memref<125x64xf32, #tpu.memory_space<vmem>>
    %dma_start3A_102 = arith.constant 0 : i32
    %dma_start3A_103 = tpu.memref_slice %arg7[%dma_start3A_96, %dma_start3A_102] : memref<160x125xi32, #tpu.memory_space<vmem>> -> memref<1x125xi32, #tpu.memory_space<vmem>>
    %dma_start3A_104 = tpu.memref_squeeze %dma_start3A_103 : memref<1x125xi32, #tpu.memory_space<vmem>> -> memref<125xi32, #tpu.memory_space<vmem>>
    %dma_start3A_105 = arith.constant 0 : i32
    %dma_start3A_106 = arith.constant 0 : i32
    %dma_start3A_107 = tpu.memref_slice %arg2[%dma_start3A_105, %dma_start3A_106] : memref<20000x64xf32, #tpu.memory_space<hbm>> -> memref<20000x64xf32, #tpu.memory_space<hbm>>
    tpu.enqueue_indirect_dma source(%dma_start3A_107 : memref<20000x64xf32, #tpu.memory_space<hbm>>) target(%dma_start3A_101 : memref<125x64xf32, #tpu.memory_space<vmem>>) offsets(%dma_start3A_104 : memref<125xi32, #tpu.memory_space<vmem>>) semaphore(%arg14 : memref<!tpu.dma_semaphore, #tpu.memory_space<semaphore_mem>>)
    %dma_start3A_108 = arith.constant 5 : i32
    %dma_start3A_109 = arith.constant 5 : i32
    %dma_start3A_110 = arith.constant 0 : i32
    %dma_start3A_111 = arith.constant 0 : i32
    %dma_start3A_112 = tpu.memref_slice %arg9[%dma_start3A_109, %dma_start3A_110, %dma_start3A_111] : memref<6x125x64xf32, #tpu.memory_space<vmem>> -> memref<1x125x64xf32, #tpu.memory_space<vmem>>
    %dma_start3A_113 = tpu.memref_squeeze %dma_start3A_112 : memref<1x125x64xf32, #tpu.memory_space<vmem>> -> memref<125x64xf32, #tpu.memory_space<vmem>>
    %dma_start3A_114 = arith.constant 0 : i32
    %dma_start3A_115 = tpu.memref_slice %arg7[%dma_start3A_108, %dma_start3A_114] : memref<160x125xi32, #tpu.memory_space<vmem>> -> memref<1x125xi32, #tpu.memory_space<vmem>>
    %dma_start3A_116 = tpu.memref_squeeze %dma_start3A_115 : memref<1x125xi32, #tpu.memory_space<vmem>> -> memref<125xi32, #tpu.memory_space<vmem>>
    %dma_start3A_117 = arith.constant 0 : i32
    %dma_start3A_118 = arith.constant 0 : i32
    %dma_start3A_119 = tpu.memref_slice %arg2[%dma_start3A_117, %dma_start3A_118] : memref<20000x64xf32, #tpu.memory_space<hbm>> -> memref<20000x64xf32, #tpu.memory_space<hbm>>
    tpu.enqueue_indirect_dma source(%dma_start3A_119 : memref<20000x64xf32, #tpu.memory_space<hbm>>) target(%dma_start3A_113 : memref<125x64xf32, #tpu.memory_space<vmem>>) offsets(%dma_start3A_116 : memref<125xi32, #tpu.memory_space<vmem>>) semaphore(%arg15 : memref<!tpu.dma_semaphore, #tpu.memory_space<semaphore_mem>>)
    %barrier3A = arith.constant 0 : index
    tpu.barrier barrier_id(%barrier3A)
    %dma_wait3A_120 = arith.constant 0 : i32
    %dma_wait3A_121 = arith.constant 0 : i32
    %dma_wait3A_122 = arith.constant 0 : i32
    %dma_wait3A_123 = arith.constant 0 : i32
    %dma_wait3A_124 = tpu.memref_slice %arg9[%dma_wait3A_121, %dma_wait3A_122, %dma_wait3A_123] : memref<6x125x64xf32, #tpu.memory_space<vmem>> -> memref<1x125x64xf32, #tpu.memory_space<vmem>>
    %dma_wait3A_125 = tpu.memref_squeeze %dma_wait3A_124 : memref<1x125x64xf32, #tpu.memory_space<vmem>> -> memref<125x64xf32, #tpu.memory_space<vmem>>
    %dma_wait3A_126 = arith.constant 0 : i32
    %dma_wait3A_127 = tpu.memref_slice %arg7[%dma_wait3A_120, %dma_wait3A_126] : memref<160x125xi32, #tpu.memory_space<vmem>> -> memref<1x125xi32, #tpu.memory_space<vmem>>
    %dma_wait3A_128 = tpu.memref_squeeze %dma_wait3A_127 : memref<1x125xi32, #tpu.memory_space<vmem>> -> memref<125xi32, #tpu.memory_space<vmem>>
    %dma_wait3A_129 = arith.constant 0 : i32
    %dma_wait3A_130 = arith.constant 0 : i32
    %dma_wait3A_131 = tpu.memref_slice %arg2[%dma_wait3A_129, %dma_wait3A_130] : memref<20000x64xf32, #tpu.memory_space<hbm>> -> memref<20000x64xf32, #tpu.memory_space<hbm>>
    tpu.wait_indirect_dma semaphore(%arg10 : memref<!tpu.dma_semaphore, #tpu.memory_space<semaphore_mem>>) src(%dma_wait3A_131 : memref<20000x64xf32, #tpu.memory_space<hbm>>) dst(%dma_wait3A_125 : memref<125x64xf32, #tpu.memory_space<vmem>>)
    %dma_start3A_132 = arith.constant 0 : i32
    %dma_start3A_133 = arith.constant 0 : i32
    %dma_start3A_134 = arith.constant 0 : i32
    %dma_start3A_135 = arith.constant 0 : i32
    %dma_start3A_136 = tpu.memref_slice %arg9[%dma_start3A_132, %dma_start3A_134, %dma_start3A_135] : memref<6x125x64xf32, #tpu.memory_space<vmem>> -> memref<1x125x64xf32, #tpu.memory_space<vmem>>
    %dma_start3A_137 = tpu.memref_squeeze %dma_start3A_136 : memref<1x125x64xf32, #tpu.memory_space<vmem>> -> memref<125x64xf32, #tpu.memory_space<vmem>>
    %dma_start3A_138 = arith.constant 0 : i32
    %dma_start3A_139 = tpu.memref_slice %arg8[%dma_start3A_133, %dma_start3A_138] : memref<160x125xi32, #tpu.memory_space<vmem>> -> memref<1x125xi32, #tpu.memory_space<vmem>>
    %dma_start3A_140 = tpu.memref_squeeze %dma_start3A_139 : memref<1x125xi32, #tpu.memory_space<vmem>> -> memref<125xi32, #tpu.memory_space<vmem>>
    %dma_start3A_141 = arith.constant 0 : i32
    %dma_start3A_142 = arith.constant 0 : i32
    %dma_start3A_143 = tpu.memref_slice %arg6[%dma_start3A_141, %dma_start3A_142] : memref<10000x64xf32, #tpu.memory_space<vmem_shared>> -> memref<10000x64xf32, #tpu.memory_space<vmem_shared>>
    tpu.enqueue_indirect_dma source(%dma_start3A_137 : memref<125x64xf32, #tpu.memory_space<vmem>>) target(%dma_start3A_143 : memref<10000x64xf32, #tpu.memory_space<vmem_shared>>) offsets(%dma_start3A_140 : memref<125xi32, #tpu.memory_space<vmem>>) semaphore(%arg16 : memref<!tpu.dma_semaphore, #tpu.memory_space<semaphore_mem>>) {add = true}
    %dma_wait3A_144 = arith.constant 1 : i32
    %dma_wait3A_145 = arith.constant 1 : i32
    %dma_wait3A_146 = arith.constant 0 : i32
    %dma_wait3A_147 = arith.constant 0 : i32
    %dma_wait3A_148 = tpu.memref_slice %arg9[%dma_wait3A_145, %dma_wait3A_146, %dma_wait3A_147] : memref<6x125x64xf32, #tpu.memory_space<vmem>> -> memref<1x125x64xf32, #tpu.memory_space<vmem>>
    %dma_wait3A_149 = tpu.memref_squeeze %dma_wait3A_148 : memref<1x125x64xf32, #tpu.memory_space<vmem>> -> memref<125x64xf32, #tpu.memory_space<vmem>>
    %dma_wait3A_150 = arith.constant 0 : i32
    %dma_wait3A_151 = tpu.memref_slice %arg7[%dma_wait3A_144, %dma_wait3A_150] : memref<160x125xi32, #tpu.memory_space<vmem>> -> memref<1x125xi32, #tpu.memory_space<vmem>>
    %dma_wait3A_152 = tpu.memref_squeeze %dma_wait3A_151 : memref<1x125xi32, #tpu.memory_space<vmem>> -> memref<125xi32, #tpu.memory_space<vmem>>
    %dma_wait3A_153 = arith.constant 0 : i32
    %dma_wait3A_154 = arith.constant 0 : i32
    %dma_wait3A_155 = tpu.memref_slice %arg2[%dma_wait3A_153, %dma_wait3A_154] : memref<20000x64xf32, #tpu.memory_space<hbm>> -> memref<20000x64xf32, #tpu.memory_space<hbm>>
    tpu.wait_indirect_dma semaphore(%arg11 : memref<!tpu.dma_semaphore, #tpu.memory_space<semaphore_mem>>) src(%dma_wait3A_155 : memref<20000x64xf32, #tpu.memory_space<hbm>>) dst(%dma_wait3A_149 : memref<125x64xf32, #tpu.memory_space<vmem>>)
    %dma_start3A_156 = arith.constant 1 : i32
    %dma_start3A_157 = arith.constant 1 : i32
    %dma_start3A_158 = arith.constant 0 : i32
    %dma_start3A_159 = arith.constant 0 : i32
    %dma_start3A_160 = tpu.memref_slice %arg9[%dma_start3A_156, %dma_start3A_158, %dma_start3A_159] : memref<6x125x64xf32, #tpu.memory_space<vmem>> -> memref<1x125x64xf32, #tpu.memory_space<vmem>>
    %dma_start3A_161 = tpu.memref_squeeze %dma_start3A_160 : memref<1x125x64xf32, #tpu.memory_space<vmem>> -> memref<125x64xf32, #tpu.memory_space<vmem>>
    %dma_start3A_162 = arith.constant 0 : i32
    %dma_start3A_163 = tpu.memref_slice %arg8[%dma_start3A_157, %dma_start3A_162] : memref<160x125xi32, #tpu.memory_space<vmem>> -> memref<1x125xi32, #tpu.memory_space<vmem>>
    %dma_start3A_164 = tpu.memref_squeeze %dma_start3A_163 : memref<1x125xi32, #tpu.memory_space<vmem>> -> memref<125xi32, #tpu.memory_space<vmem>>
    %dma_start3A_165 = arith.constant 0 : i32
    %dma_start3A_166 = arith.constant 0 : i32
    %dma_start3A_167 = tpu.memref_slice %arg6[%dma_start3A_165, %dma_start3A_166] : memref<10000x64xf32, #tpu.memory_space<vmem_shared>> -> memref<10000x64xf32, #tpu.memory_space<vmem_shared>>
    tpu.enqueue_indirect_dma source(%dma_start3A_161 : memref<125x64xf32, #tpu.memory_space<vmem>>) target(%dma_start3A_167 : memref<10000x64xf32, #tpu.memory_space<vmem_shared>>) offsets(%dma_start3A_164 : memref<125xi32, #tpu.memory_space<vmem>>) semaphore(%arg17 : memref<!tpu.dma_semaphore, #tpu.memory_space<semaphore_mem>>) {add = true}
    %dma_wait3A_168 = arith.constant 2 : i32
    %dma_wait3A_169 = arith.constant 2 : i32
    %dma_wait3A_170 = arith.constant 0 : i32
    %dma_wait3A_171 = arith.constant 0 : i32
    %dma_wait3A_172 = tpu.memref_slice %arg9[%dma_wait3A_169, %dma_wait3A_170, %dma_wait3A_171] : memref<6x125x64xf32, #tpu.memory_space<vmem>> -> memref<1x125x64xf32, #tpu.memory_space<vmem>>
    %dma_wait3A_173 = tpu.memref_squeeze %dma_wait3A_172 : memref<1x125x64xf32, #tpu.memory_space<vmem>> -> memref<125x64xf32, #tpu.memory_space<vmem>>
    %dma_wait3A_174 = arith.constant 0 : i32
    %dma_wait3A_175 = tpu.memref_slice %arg7[%dma_wait3A_168, %dma_wait3A_174] : memref<160x125xi32, #tpu.memory_space<vmem>> -> memref<1x125xi32, #tpu.memory_space<vmem>>
    %dma_wait3A_176 = tpu.memref_squeeze %dma_wait3A_175 : memref<1x125xi32, #tpu.memory_space<vmem>> -> memref<125xi32, #tpu.memory_space<vmem>>
    %dma_wait3A_177 = arith.constant 0 : i32
    %dma_wait3A_178 = arith.constant 0 : i32
    %dma_wait3A_179 = tpu.memref_slice %arg2[%dma_wait3A_177, %dma_wait3A_178] : memref<20000x64xf32, #tpu.memory_space<hbm>> -> memref<20000x64xf32, #tpu.memory_space<hbm>>
    tpu.wait_indirect_dma semaphore(%arg12 : memref<!tpu.dma_semaphore, #tpu.memory_space<semaphore_mem>>) src(%dma_wait3A_179 : memref<20000x64xf32, #tpu.memory_space<hbm>>) dst(%dma_wait3A_173 : memref<125x64xf32, #tpu.memory_space<vmem>>)
    %dma_start3A_180 = arith.constant 2 : i32
    %dma_start3A_181 = arith.constant 2 : i32
    %dma_start3A_182 = arith.constant 0 : i32
    %dma_start3A_183 = arith.constant 0 : i32
    %dma_start3A_184 = tpu.memref_slice %arg9[%dma_start3A_180, %dma_start3A_182, %dma_start3A_183] : memref<6x125x64xf32, #tpu.memory_space<vmem>> -> memref<1x125x64xf32, #tpu.memory_space<vmem>>
    %dma_start3A_185 = tpu.memref_squeeze %dma_start3A_184 : memref<1x125x64xf32, #tpu.memory_space<vmem>> -> memref<125x64xf32, #tpu.memory_space<vmem>>
    %dma_start3A_186 = arith.constant 0 : i32
    %dma_start3A_187 = tpu.memref_slice %arg8[%dma_start3A_181, %dma_start3A_186] : memref<160x125xi32, #tpu.memory_space<vmem>> -> memref<1x125xi32, #tpu.memory_space<vmem>>
    %dma_start3A_188 = tpu.memref_squeeze %dma_start3A_187 : memref<1x125xi32, #tpu.memory_space<vmem>> -> memref<125xi32, #tpu.memory_space<vmem>>
    %dma_start3A_189 = arith.constant 0 : i32
    %dma_start3A_190 = arith.constant 0 : i32
    %dma_start3A_191 = tpu.memref_slice %arg6[%dma_start3A_189, %dma_start3A_190] : memref<10000x64xf32, #tpu.memory_space<vmem_shared>> -> memref<10000x64xf32, #tpu.memory_space<vmem_shared>>
    tpu.enqueue_indirect_dma source(%dma_start3A_185 : memref<125x64xf32, #tpu.memory_space<vmem>>) target(%dma_start3A_191 : memref<10000x64xf32, #tpu.memory_space<vmem_shared>>) offsets(%dma_start3A_188 : memref<125xi32, #tpu.memory_space<vmem>>) semaphore(%arg18 : memref<!tpu.dma_semaphore, #tpu.memory_space<semaphore_mem>>) {add = true}
    %scan3A_192 = arith.constant 0 : i32
    %scan3A_193 = arith.constant 0 : i32
    %scan3A_194 = arith.constant 25 : i32
    %scan3A_195 = arith.addi %scan3A_193, %scan3A_194 : i32
    %scan3A_196 = arith.constant 1 : i32
    scf.for %scan3A_535 = %scan3A_193 to %scan3A_195 step %scan3A_196  : i32 {
      %mul3A_536 = arith.constant 6 : i32
      %mul3A_537 = arith.muli %mul3A_536, %scan3A_535 : i32
      %add3A_538 = arith.constant 3 : i32
      %add3A_539 = arith.addi %mul3A_537, %add3A_538 : i32
      %add3A_540 = arith.constant 0 : i32
      %add3A_541 = arith.addi %add3A_539, %add3A_540 : i32
      %dma_wait3A_542 = arith.constant 3 : i32
      %dma_wait3A_543 = arith.constant 0 : i32
      %dma_wait3A_544 = arith.constant 0 : i32
      %dma_wait3A_545 = tpu.memref_slice %arg9[%dma_wait3A_542, %dma_wait3A_543, %dma_wait3A_544] : memref<6x125x64xf32, #tpu.memory_space<vmem>> -> memref<1x125x64xf32, #tpu.memory_space<vmem>>
      %dma_wait3A_546 = tpu.memref_squeeze %dma_wait3A_545 : memref<1x125x64xf32, #tpu.memory_space<vmem>> -> memref<125x64xf32, #tpu.memory_space<vmem>>
      %dma_wait3A_547 = arith.constant 0 : i32
      %dma_wait3A_548 = tpu.memref_slice %arg7[%add3A_541, %dma_wait3A_547] : memref<160x125xi32, #tpu.memory_space<vmem>> -> memref<1x125xi32, #tpu.memory_space<vmem>>
      %dma_wait3A_549 = tpu.memref_squeeze %dma_wait3A_548 : memref<1x125xi32, #tpu.memory_space<vmem>> -> memref<125xi32, #tpu.memory_space<vmem>>
      %dma_wait3A_550 = arith.constant 0 : i32
      %dma_wait3A_551 = arith.constant 0 : i32
      %dma_wait3A_552 = tpu.memref_slice %arg2[%dma_wait3A_550, %dma_wait3A_551] : memref<20000x64xf32, #tpu.memory_space<hbm>> -> memref<20000x64xf32, #tpu.memory_space<hbm>>
      tpu.wait_indirect_dma semaphore(%arg13 : memref<!tpu.dma_semaphore, #tpu.memory_space<semaphore_mem>>) src(%dma_wait3A_552 : memref<20000x64xf32, #tpu.memory_space<hbm>>) dst(%dma_wait3A_546 : memref<125x64xf32, #tpu.memory_space<vmem>>)
      %dma_start3A_553 = arith.constant 3 : i32
      %dma_start3A_554 = arith.constant 0 : i32
      %dma_start3A_555 = arith.constant 0 : i32
      %dma_start3A_556 = tpu.memref_slice %arg9[%dma_start3A_553, %dma_start3A_554, %dma_start3A_555] : memref<6x125x64xf32, #tpu.memory_space<vmem>> -> memref<1x125x64xf32, #tpu.memory_space<vmem>>
      %dma_start3A_557 = tpu.memref_squeeze %dma_start3A_556 : memref<1x125x64xf32, #tpu.memory_space<vmem>> -> memref<125x64xf32, #tpu.memory_space<vmem>>
      %dma_start3A_558 = arith.constant 0 : i32
      %dma_start3A_559 = tpu.memref_slice %arg8[%add3A_541, %dma_start3A_558] : memref<160x125xi32, #tpu.memory_space<vmem>> -> memref<1x125xi32, #tpu.memory_space<vmem>>
      %dma_start3A_560 = tpu.memref_squeeze %dma_start3A_559 : memref<1x125xi32, #tpu.memory_space<vmem>> -> memref<125xi32, #tpu.memory_space<vmem>>
      %dma_start3A_561 = arith.constant 0 : i32
      %dma_start3A_562 = arith.constant 0 : i32
      %dma_start3A_563 = tpu.memref_slice %arg6[%dma_start3A_561, %dma_start3A_562] : memref<10000x64xf32, #tpu.memory_space<vmem_shared>> -> memref<10000x64xf32, #tpu.memory_space<vmem_shared>>
      tpu.enqueue_indirect_dma source(%dma_start3A_557 : memref<125x64xf32, #tpu.memory_space<vmem>>) target(%dma_start3A_563 : memref<10000x64xf32, #tpu.memory_space<vmem_shared>>) offsets(%dma_start3A_560 : memref<125xi32, #tpu.memory_space<vmem>>) semaphore(%arg19 : memref<!tpu.dma_semaphore, #tpu.memory_space<semaphore_mem>>) {add = true}
      %sub3A = arith.constant 3 : i32
      %sub3A_564 = arith.subi %add3A_541, %sub3A : i32
      %dma_wait3A_565 = arith.constant 0 : i32
      %dma_wait3A_566 = arith.constant 0 : i32
      %dma_wait3A_567 = arith.constant 0 : i32
      %dma_wait3A_568 = tpu.memref_slice %arg9[%dma_wait3A_565, %dma_wait3A_566, %dma_wait3A_567] : memref<6x125x64xf32, #tpu.memory_space<vmem>> -> memref<1x125x64xf32, #tpu.memory_space<vmem>>
      %dma_wait3A_569 = tpu.memref_squeeze %dma_wait3A_568 : memref<1x125x64xf32, #tpu.memory_space<vmem>> -> memref<125x64xf32, #tpu.memory_space<vmem>>
      %dma_wait3A_570 = arith.constant 0 : i32
      %dma_wait3A_571 = tpu.memref_slice %arg8[%sub3A_564, %dma_wait3A_570] : memref<160x125xi32, #tpu.memory_space<vmem>> -> memref<1x125xi32, #tpu.memory_space<vmem>>
      %dma_wait3A_572 = tpu.memref_squeeze %dma_wait3A_571 : memref<1x125xi32, #tpu.memory_space<vmem>> -> memref<125xi32, #tpu.memory_space<vmem>>
      %dma_wait3A_573 = arith.constant 0 : i32
      %dma_wait3A_574 = arith.constant 0 : i32
      %dma_wait3A_575 = tpu.memref_slice %arg6[%dma_wait3A_573, %dma_wait3A_574] : memref<10000x64xf32, #tpu.memory_space<vmem_shared>> -> memref<10000x64xf32, #tpu.memory_space<vmem_shared>>
      tpu.wait_indirect_dma semaphore(%arg16 : memref<!tpu.dma_semaphore, #tpu.memory_space<semaphore_mem>>) src(%dma_wait3A_569 : memref<125x64xf32, #tpu.memory_space<vmem>>) dst(%dma_wait3A_575 : memref<10000x64xf32, #tpu.memory_space<vmem_shared>>)
      %add3A_576 = arith.constant 3 : i32
      %add3A_577 = arith.addi %add3A_541, %add3A_576 : i32
      %dma_start3A_578 = arith.constant 0 : i32
      %dma_start3A_579 = arith.constant 0 : i32
      %dma_start3A_580 = arith.constant 0 : i32
      %dma_start3A_581 = tpu.memref_slice %arg9[%dma_start3A_578, %dma_start3A_579, %dma_start3A_580] : memref<6x125x64xf32, #tpu.memory_space<vmem>> -> memref<1x125x64xf32, #tpu.memory_space<vmem>>
      %dma_start3A_582 = tpu.memref_squeeze %dma_start3A_581 : memref<1x125x64xf32, #tpu.memory_space<vmem>> -> memref<125x64xf32, #tpu.memory_space<vmem>>
      %dma_start3A_583 = arith.constant 0 : i32
      %dma_start3A_584 = tpu.memref_slice %arg7[%add3A_577, %dma_start3A_583] : memref<160x125xi32, #tpu.memory_space<vmem>> -> memref<1x125xi32, #tpu.memory_space<vmem>>
      %dma_start3A_585 = tpu.memref_squeeze %dma_start3A_584 : memref<1x125xi32, #tpu.memory_space<vmem>> -> memref<125xi32, #tpu.memory_space<vmem>>
      %dma_start3A_586 = arith.constant 0 : i32
      %dma_start3A_587 = arith.constant 0 : i32
      %dma_start3A_588 = tpu.memref_slice %arg2[%dma_start3A_586, %dma_start3A_587] : memref<20000x64xf32, #tpu.memory_space<hbm>> -> memref<20000x64xf32, #tpu.memory_space<hbm>>
      tpu.enqueue_indirect_dma source(%dma_start3A_588 : memref<20000x64xf32, #tpu.memory_space<hbm>>) target(%dma_start3A_582 : memref<125x64xf32, #tpu.memory_space<vmem>>) offsets(%dma_start3A_585 : memref<125xi32, #tpu.memory_space<vmem>>) semaphore(%arg10 : memref<!tpu.dma_semaphore, #tpu.memory_space<semaphore_mem>>)
      %add3A_589 = arith.constant 1 : i32
      %add3A_590 = arith.addi %add3A_539, %add3A_589 : i32
      %dma_wait3A_591 = arith.constant 4 : i32
      %dma_wait3A_592 = arith.constant 0 : i32
      %dma_wait3A_593 = arith.constant 0 : i32
      %dma_wait3A_594 = tpu.memref_slice %arg9[%dma_wait3A_591, %dma_wait3A_592, %dma_wait3A_593] : memref<6x125x64xf32, #tpu.memory_space<vmem>> -> memref<1x125x64xf32, #tpu.memory_space<vmem>>
      %dma_wait3A_595 = tpu.memref_squeeze %dma_wait3A_594 : memref<1x125x64xf32, #tpu.memory_space<vmem>> -> memref<125x64xf32, #tpu.memory_space<vmem>>
      %dma_wait3A_596 = arith.constant 0 : i32
      %dma_wait3A_597 = tpu.memref_slice %arg7[%add3A_590, %dma_wait3A_596] : memref<160x125xi32, #tpu.memory_space<vmem>> -> memref<1x125xi32, #tpu.memory_space<vmem>>
      %dma_wait3A_598 = tpu.memref_squeeze %dma_wait3A_597 : memref<1x125xi32, #tpu.memory_space<vmem>> -> memref<125xi32, #tpu.memory_space<vmem>>
      %dma_wait3A_599 = arith.constant 0 : i32
      %dma_wait3A_600 = arith.constant 0 : i32
      %dma_wait3A_601 = tpu.memref_slice %arg2[%dma_wait3A_599, %dma_wait3A_600] : memref<20000x64xf32, #tpu.memory_space<hbm>> -> memref<20000x64xf32, #tpu.memory_space<hbm>>
      tpu.wait_indirect_dma semaphore(%arg14 : memref<!tpu.dma_semaphore, #tpu.memory_space<semaphore_mem>>) src(%dma_wait3A_601 : memref<20000x64xf32, #tpu.memory_space<hbm>>) dst(%dma_wait3A_595 : memref<125x64xf32, #tpu.memory_space<vmem>>)
      %dma_start3A_602 = arith.constant 4 : i32
      %dma_start3A_603 = arith.constant 0 : i32
      %dma_start3A_604 = arith.constant 0 : i32
      %dma_start3A_605 = tpu.memref_slice %arg9[%dma_start3A_602, %dma_start3A_603, %dma_start3A_604] : memref<6x125x64xf32, #tpu.memory_space<vmem>> -> memref<1x125x64xf32, #tpu.memory_space<vmem>>
      %dma_start3A_606 = tpu.memref_squeeze %dma_start3A_605 : memref<1x125x64xf32, #tpu.memory_space<vmem>> -> memref<125x64xf32, #tpu.memory_space<vmem>>
      %dma_start3A_607 = arith.constant 0 : i32
      %dma_start3A_608 = tpu.memref_slice %arg8[%add3A_590, %dma_start3A_607] : memref<160x125xi32, #tpu.memory_space<vmem>> -> memref<1x125xi32, #tpu.memory_space<vmem>>
      %dma_start3A_609 = tpu.memref_squeeze %dma_start3A_608 : memref<1x125xi32, #tpu.memory_space<vmem>> -> memref<125xi32, #tpu.memory_space<vmem>>
      %dma_start3A_610 = arith.constant 0 : i32
      %dma_start3A_611 = arith.constant 0 : i32
      %dma_start3A_612 = tpu.memref_slice %arg6[%dma_start3A_610, %dma_start3A_611] : memref<10000x64xf32, #tpu.memory_space<vmem_shared>> -> memref<10000x64xf32, #tpu.memory_space<vmem_shared>>
      tpu.enqueue_indirect_dma source(%dma_start3A_606 : memref<125x64xf32, #tpu.memory_space<vmem>>) target(%dma_start3A_612 : memref<10000x64xf32, #tpu.memory_space<vmem_shared>>) offsets(%dma_start3A_609 : memref<125xi32, #tpu.memory_space<vmem>>) semaphore(%arg20 : memref<!tpu.dma_semaphore, #tpu.memory_space<semaphore_mem>>) {add = true}
      %sub3A_613 = arith.constant 3 : i32
      %sub3A_614 = arith.subi %add3A_590, %sub3A_613 : i32
      %dma_wait3A_615 = arith.constant 1 : i32
      %dma_wait3A_616 = arith.constant 0 : i32
      %dma_wait3A_617 = arith.constant 0 : i32
      %dma_wait3A_618 = tpu.memref_slice %arg9[%dma_wait3A_615, %dma_wait3A_616, %dma_wait3A_617] : memref<6x125x64xf32, #tpu.memory_space<vmem>> -> memref<1x125x64xf32, #tpu.memory_space<vmem>>
      %dma_wait3A_619 = tpu.memref_squeeze %dma_wait3A_618 : memref<1x125x64xf32, #tpu.memory_space<vmem>> -> memref<125x64xf32, #tpu.memory_space<vmem>>
      %dma_wait3A_620 = arith.constant 0 : i32
      %dma_wait3A_621 = tpu.memref_slice %arg8[%sub3A_614, %dma_wait3A_620] : memref<160x125xi32, #tpu.memory_space<vmem>> -> memref<1x125xi32, #tpu.memory_space<vmem>>
      %dma_wait3A_622 = tpu.memref_squeeze %dma_wait3A_621 : memref<1x125xi32, #tpu.memory_space<vmem>> -> memref<125xi32, #tpu.memory_space<vmem>>
      %dma_wait3A_623 = arith.constant 0 : i32
      %dma_wait3A_624 = arith.constant 0 : i32
      %dma_wait3A_625 = tpu.memref_slice %arg6[%dma_wait3A_623, %dma_wait3A_624] : memref<10000x64xf32, #tpu.memory_space<vmem_shared>> -> memref<10000x64xf32, #tpu.memory_space<vmem_shared>>
      tpu.wait_indirect_dma semaphore(%arg17 : memref<!tpu.dma_semaphore, #tpu.memory_space<semaphore_mem>>) src(%dma_wait3A_619 : memref<125x64xf32, #tpu.memory_space<vmem>>) dst(%dma_wait3A_625 : memref<10000x64xf32, #tpu.memory_space<vmem_shared>>)
      %add3A_626 = arith.constant 3 : i32
      %add3A_627 = arith.addi %add3A_590, %add3A_626 : i32
      %dma_start3A_628 = arith.constant 1 : i32
      %dma_start3A_629 = arith.constant 0 : i32
      %dma_start3A_630 = arith.constant 0 : i32
      %dma_start3A_631 = tpu.memref_slice %arg9[%dma_start3A_628, %dma_start3A_629, %dma_start3A_630] : memref<6x125x64xf32, #tpu.memory_space<vmem>> -> memref<1x125x64xf32, #tpu.memory_space<vmem>>
      %dma_start3A_632 = tpu.memref_squeeze %dma_start3A_631 : memref<1x125x64xf32, #tpu.memory_space<vmem>> -> memref<125x64xf32, #tpu.memory_space<vmem>>
      %dma_start3A_633 = arith.constant 0 : i32
      %dma_start3A_634 = tpu.memref_slice %arg7[%add3A_627, %dma_start3A_633] : memref<160x125xi32, #tpu.memory_space<vmem>> -> memref<1x125xi32, #tpu.memory_space<vmem>>
      %dma_start3A_635 = tpu.memref_squeeze %dma_start3A_634 : memref<1x125xi32, #tpu.memory_space<vmem>> -> memref<125xi32, #tpu.memory_space<vmem>>
      %dma_start3A_636 = arith.constant 0 : i32
      %dma_start3A_637 = arith.constant 0 : i32
      %dma_start3A_638 = tpu.memref_slice %arg2[%dma_start3A_636, %dma_start3A_637] : memref<20000x64xf32, #tpu.memory_space<hbm>> -> memref<20000x64xf32, #tpu.memory_space<hbm>>
      tpu.enqueue_indirect_dma source(%dma_start3A_638 : memref<20000x64xf32, #tpu.memory_space<hbm>>) target(%dma_start3A_632 : memref<125x64xf32, #tpu.memory_space<vmem>>) offsets(%dma_start3A_635 : memref<125xi32, #tpu.memory_space<vmem>>) semaphore(%arg11 : memref<!tpu.dma_semaphore, #tpu.memory_space<semaphore_mem>>)
      %add3A_639 = arith.constant 2 : i32
      %add3A_640 = arith.addi %add3A_539, %add3A_639 : i32
      %dma_wait3A_641 = arith.constant 5 : i32
      %dma_wait3A_642 = arith.constant 0 : i32
      %dma_wait3A_643 = arith.constant 0 : i32
      %dma_wait3A_644 = tpu.memref_slice %arg9[%dma_wait3A_641, %dma_wait3A_642, %dma_wait3A_643] : memref<6x125x64xf32, #tpu.memory_space<vmem>> -> memref<1x125x64xf32, #tpu.memory_space<vmem>>
      %dma_wait3A_645 = tpu.memref_squeeze %dma_wait3A_644 : memref<1x125x64xf32, #tpu.memory_space<vmem>> -> memref<125x64xf32, #tpu.memory_space<vmem>>
      %dma_wait3A_646 = arith.constant 0 : i32
      %dma_wait3A_647 = tpu.memref_slice %arg7[%add3A_640, %dma_wait3A_646] : memref<160x125xi32, #tpu.memory_space<vmem>> -> memref<1x125xi32, #tpu.memory_space<vmem>>
      %dma_wait3A_648 = tpu.memref_squeeze %dma_wait3A_647 : memref<1x125xi32, #tpu.memory_space<vmem>> -> memref<125xi32, #tpu.memory_space<vmem>>
      %dma_wait3A_649 = arith.constant 0 : i32
      %dma_wait3A_650 = arith.constant 0 : i32
      %dma_wait3A_651 = tpu.memref_slice %arg2[%dma_wait3A_649, %dma_wait3A_650] : memref<20000x64xf32, #tpu.memory_space<hbm>> -> memref<20000x64xf32, #tpu.memory_space<hbm>>
      tpu.wait_indirect_dma semaphore(%arg15 : memref<!tpu.dma_semaphore, #tpu.memory_space<semaphore_mem>>) src(%dma_wait3A_651 : memref<20000x64xf32, #tpu.memory_space<hbm>>) dst(%dma_wait3A_645 : memref<125x64xf32, #tpu.memory_space<vmem>>)
      %dma_start3A_652 = arith.constant 5 : i32
      %dma_start3A_653 = arith.constant 0 : i32
      %dma_start3A_654 = arith.constant 0 : i32
      %dma_start3A_655 = tpu.memref_slice %arg9[%dma_start3A_652, %dma_start3A_653, %dma_start3A_654] : memref<6x125x64xf32, #tpu.memory_space<vmem>> -> memref<1x125x64xf32, #tpu.memory_space<vmem>>
      %dma_start3A_656 = tpu.memref_squeeze %dma_start3A_655 : memref<1x125x64xf32, #tpu.memory_space<vmem>> -> memref<125x64xf32, #tpu.memory_space<vmem>>
      %dma_start3A_657 = arith.constant 0 : i32
      %dma_start3A_658 = tpu.memref_slice %arg8[%add3A_640, %dma_start3A_657] : memref<160x125xi32, #tpu.memory_space<vmem>> -> memref<1x125xi32, #tpu.memory_space<vmem>>
      %dma_start3A_659 = tpu.memref_squeeze %dma_start3A_658 : memref<1x125xi32, #tpu.memory_space<vmem>> -> memref<125xi32, #tpu.memory_space<vmem>>
      %dma_start3A_660 = arith.constant 0 : i32
      %dma_start3A_661 = arith.constant 0 : i32
      %dma_start3A_662 = tpu.memref_slice %arg6[%dma_start3A_660, %dma_start3A_661] : memref<10000x64xf32, #tpu.memory_space<vmem_shared>> -> memref<10000x64xf32, #tpu.memory_space<vmem_shared>>
      tpu.enqueue_indirect_dma source(%dma_start3A_656 : memref<125x64xf32, #tpu.memory_space<vmem>>) target(%dma_start3A_662 : memref<10000x64xf32, #tpu.memory_space<vmem_shared>>) offsets(%dma_start3A_659 : memref<125xi32, #tpu.memory_space<vmem>>) semaphore(%arg21 : memref<!tpu.dma_semaphore, #tpu.memory_space<semaphore_mem>>) {add = true}
      %sub3A_663 = arith.constant 3 : i32
      %sub3A_664 = arith.subi %add3A_640, %sub3A_663 : i32
      %dma_wait3A_665 = arith.constant 2 : i32
      %dma_wait3A_666 = arith.constant 0 : i32
      %dma_wait3A_667 = arith.constant 0 : i32
      %dma_wait3A_668 = tpu.memref_slice %arg9[%dma_wait3A_665, %dma_wait3A_666, %dma_wait3A_667] : memref<6x125x64xf32, #tpu.memory_space<vmem>> -> memref<1x125x64xf32, #tpu.memory_space<vmem>>
      %dma_wait3A_669 = tpu.memref_squeeze %dma_wait3A_668 : memref<1x125x64xf32, #tpu.memory_space<vmem>> -> memref<125x64xf32, #tpu.memory_space<vmem>>
      %dma_wait3A_670 = arith.constant 0 : i32
      %dma_wait3A_671 = tpu.memref_slice %arg8[%sub3A_664, %dma_wait3A_670] : memref<160x125xi32, #tpu.memory_space<vmem>> -> memref<1x125xi32, #tpu.memory_space<vmem>>
      %dma_wait3A_672 = tpu.memref_squeeze %dma_wait3A_671 : memref<1x125xi32, #tpu.memory_space<vmem>> -> memref<125xi32, #tpu.memory_space<vmem>>
      %dma_wait3A_673 = arith.constant 0 : i32
      %dma_wait3A_674 = arith.constant 0 : i32
      %dma_wait3A_675 = tpu.memref_slice %arg6[%dma_wait3A_673, %dma_wait3A_674] : memref<10000x64xf32, #tpu.memory_space<vmem_shared>> -> memref<10000x64xf32, #tpu.memory_space<vmem_shared>>
      tpu.wait_indirect_dma semaphore(%arg18 : memref<!tpu.dma_semaphore, #tpu.memory_space<semaphore_mem>>) src(%dma_wait3A_669 : memref<125x64xf32, #tpu.memory_space<vmem>>) dst(%dma_wait3A_675 : memref<10000x64xf32, #tpu.memory_space<vmem_shared>>)
      %add3A_676 = arith.constant 3 : i32
      %add3A_677 = arith.addi %add3A_640, %add3A_676 : i32
      %dma_start3A_678 = arith.constant 2 : i32
      %dma_start3A_679 = arith.constant 0 : i32
      %dma_start3A_680 = arith.constant 0 : i32
      %dma_start3A_681 = tpu.memref_slice %arg9[%dma_start3A_678, %dma_start3A_679, %dma_start3A_680] : memref<6x125x64xf32, #tpu.memory_space<vmem>> -> memref<1x125x64xf32, #tpu.memory_space<vmem>>
      %dma_start3A_682 = tpu.memref_squeeze %dma_start3A_681 : memref<1x125x64xf32, #tpu.memory_space<vmem>> -> memref<125x64xf32, #tpu.memory_space<vmem>>
      %dma_start3A_683 = arith.constant 0 : i32
      %dma_start3A_684 = tpu.memref_slice %arg7[%add3A_677, %dma_start3A_683] : memref<160x125xi32, #tpu.memory_space<vmem>> -> memref<1x125xi32, #tpu.memory_space<vmem>>
      %dma_start3A_685 = tpu.memref_squeeze %dma_start3A_684 : memref<1x125xi32, #tpu.memory_space<vmem>> -> memref<125xi32, #tpu.memory_space<vmem>>
      %dma_start3A_686 = arith.constant 0 : i32
      %dma_start3A_687 = arith.constant 0 : i32
      %dma_start3A_688 = tpu.memref_slice %arg2[%dma_start3A_686, %dma_start3A_687] : memref<20000x64xf32, #tpu.memory_space<hbm>> -> memref<20000x64xf32, #tpu.memory_space<hbm>>
      tpu.enqueue_indirect_dma source(%dma_start3A_688 : memref<20000x64xf32, #tpu.memory_space<hbm>>) target(%dma_start3A_682 : memref<125x64xf32, #tpu.memory_space<vmem>>) offsets(%dma_start3A_685 : memref<125xi32, #tpu.memory_space<vmem>>) semaphore(%arg12 : memref<!tpu.dma_semaphore, #tpu.memory_space<semaphore_mem>>)
      %add3A_689 = arith.constant 3 : i32
      %add3A_690 = arith.addi %add3A_539, %add3A_689 : i32
      %dma_wait3A_691 = arith.constant 0 : i32
      %dma_wait3A_692 = arith.constant 0 : i32
      %dma_wait3A_693 = arith.constant 0 : i32
      %dma_wait3A_694 = tpu.memref_slice %arg9[%dma_wait3A_691, %dma_wait3A_692, %dma_wait3A_693] : memref<6x125x64xf32, #tpu.memory_space<vmem>> -> memref<1x125x64xf32, #tpu.memory_space<vmem>>
      %dma_wait3A_695 = tpu.memref_squeeze %dma_wait3A_694 : memref<1x125x64xf32, #tpu.memory_space<vmem>> -> memref<125x64xf32, #tpu.memory_space<vmem>>
      %dma_wait3A_696 = arith.constant 0 : i32
      %dma_wait3A_697 = tpu.memref_slice %arg7[%add3A_690, %dma_wait3A_696] : memref<160x125xi32, #tpu.memory_space<vmem>> -> memref<1x125xi32, #tpu.memory_space<vmem>>
      %dma_wait3A_698 = tpu.memref_squeeze %dma_wait3A_697 : memref<1x125xi32, #tpu.memory_space<vmem>> -> memref<125xi32, #tpu.memory_space<vmem>>
      %dma_wait3A_699 = arith.constant 0 : i32
      %dma_wait3A_700 = arith.constant 0 : i32
      %dma_wait3A_701 = tpu.memref_slice %arg2[%dma_wait3A_699, %dma_wait3A_700] : memref<20000x64xf32, #tpu.memory_space<hbm>> -> memref<20000x64xf32, #tpu.memory_space<hbm>>
      tpu.wait_indirect_dma semaphore(%arg10 : memref<!tpu.dma_semaphore, #tpu.memory_space<semaphore_mem>>) src(%dma_wait3A_701 : memref<20000x64xf32, #tpu.memory_space<hbm>>) dst(%dma_wait3A_695 : memref<125x64xf32, #tpu.memory_space<vmem>>)
      %dma_start3A_702 = arith.constant 0 : i32
      %dma_start3A_703 = arith.constant 0 : i32
      %dma_start3A_704 = arith.constant 0 : i32
      %dma_start3A_705 = tpu.memref_slice %arg9[%dma_start3A_702, %dma_start3A_703, %dma_start3A_704] : memref<6x125x64xf32, #tpu.memory_space<vmem>> -> memref<1x125x64xf32, #tpu.memory_space<vmem>>
      %dma_start3A_706 = tpu.memref_squeeze %dma_start3A_705 : memref<1x125x64xf32, #tpu.memory_space<vmem>> -> memref<125x64xf32, #tpu.memory_space<vmem>>
      %dma_start3A_707 = arith.constant 0 : i32
      %dma_start3A_708 = tpu.memref_slice %arg8[%add3A_690, %dma_start3A_707] : memref<160x125xi32, #tpu.memory_space<vmem>> -> memref<1x125xi32, #tpu.memory_space<vmem>>
      %dma_start3A_709 = tpu.memref_squeeze %dma_start3A_708 : memref<1x125xi32, #tpu.memory_space<vmem>> -> memref<125xi32, #tpu.memory_space<vmem>>
      %dma_start3A_710 = arith.constant 0 : i32
      %dma_start3A_711 = arith.constant 0 : i32
      %dma_start3A_712 = tpu.memref_slice %arg6[%dma_start3A_710, %dma_start3A_711] : memref<10000x64xf32, #tpu.memory_space<vmem_shared>> -> memref<10000x64xf32, #tpu.memory_space<vmem_shared>>
      tpu.enqueue_indirect_dma source(%dma_start3A_706 : memref<125x64xf32, #tpu.memory_space<vmem>>) target(%dma_start3A_712 : memref<10000x64xf32, #tpu.memory_space<vmem_shared>>) offsets(%dma_start3A_709 : memref<125xi32, #tpu.memory_space<vmem>>) semaphore(%arg16 : memref<!tpu.dma_semaphore, #tpu.memory_space<semaphore_mem>>) {add = true}
      %sub3A_713 = arith.constant 3 : i32
      %sub3A_714 = arith.subi %add3A_690, %sub3A_713 : i32
      %dma_wait3A_715 = arith.constant 3 : i32
      %dma_wait3A_716 = arith.constant 0 : i32
      %dma_wait3A_717 = arith.constant 0 : i32
      %dma_wait3A_718 = tpu.memref_slice %arg9[%dma_wait3A_715, %dma_wait3A_716, %dma_wait3A_717] : memref<6x125x64xf32, #tpu.memory_space<vmem>> -> memref<1x125x64xf32, #tpu.memory_space<vmem>>
      %dma_wait3A_719 = tpu.memref_squeeze %dma_wait3A_718 : memref<1x125x64xf32, #tpu.memory_space<vmem>> -> memref<125x64xf32, #tpu.memory_space<vmem>>
      %dma_wait3A_720 = arith.constant 0 : i32
      %dma_wait3A_721 = tpu.memref_slice %arg8[%sub3A_714, %dma_wait3A_720] : memref<160x125xi32, #tpu.memory_space<vmem>> -> memref<1x125xi32, #tpu.memory_space<vmem>>
      %dma_wait3A_722 = tpu.memref_squeeze %dma_wait3A_721 : memref<1x125xi32, #tpu.memory_space<vmem>> -> memref<125xi32, #tpu.memory_space<vmem>>
      %dma_wait3A_723 = arith.constant 0 : i32
      %dma_wait3A_724 = arith.constant 0 : i32
      %dma_wait3A_725 = tpu.memref_slice %arg6[%dma_wait3A_723, %dma_wait3A_724] : memref<10000x64xf32, #tpu.memory_space<vmem_shared>> -> memref<10000x64xf32, #tpu.memory_space<vmem_shared>>
      tpu.wait_indirect_dma semaphore(%arg19 : memref<!tpu.dma_semaphore, #tpu.memory_space<semaphore_mem>>) src(%dma_wait3A_719 : memref<125x64xf32, #tpu.memory_space<vmem>>) dst(%dma_wait3A_725 : memref<10000x64xf32, #tpu.memory_space<vmem_shared>>)
      %add3A_726 = arith.constant 3 : i32
      %add3A_727 = arith.addi %add3A_690, %add3A_726 : i32
      %dma_start3A_728 = arith.constant 3 : i32
      %dma_start3A_729 = arith.constant 0 : i32
      %dma_start3A_730 = arith.constant 0 : i32
      %dma_start3A_731 = tpu.memref_slice %arg9[%dma_start3A_728, %dma_start3A_729, %dma_start3A_730] : memref<6x125x64xf32, #tpu.memory_space<vmem>> -> memref<1x125x64xf32, #tpu.memory_space<vmem>>
      %dma_start3A_732 = tpu.memref_squeeze %dma_start3A_731 : memref<1x125x64xf32, #tpu.memory_space<vmem>> -> memref<125x64xf32, #tpu.memory_space<vmem>>
      %dma_start3A_733 = arith.constant 0 : i32
      %dma_start3A_734 = tpu.memref_slice %arg7[%add3A_727, %dma_start3A_733] : memref<160x125xi32, #tpu.memory_space<vmem>> -> memref<1x125xi32, #tpu.memory_space<vmem>>
      %dma_start3A_735 = tpu.memref_squeeze %dma_start3A_734 : memref<1x125xi32, #tpu.memory_space<vmem>> -> memref<125xi32, #tpu.memory_space<vmem>>
      %dma_start3A_736 = arith.constant 0 : i32
      %dma_start3A_737 = arith.constant 0 : i32
      %dma_start3A_738 = tpu.memref_slice %arg2[%dma_start3A_736, %dma_start3A_737] : memref<20000x64xf32, #tpu.memory_space<hbm>> -> memref<20000x64xf32, #tpu.memory_space<hbm>>
      tpu.enqueue_indirect_dma source(%dma_start3A_738 : memref<20000x64xf32, #tpu.memory_space<hbm>>) target(%dma_start3A_732 : memref<125x64xf32, #tpu.memory_space<vmem>>) offsets(%dma_start3A_735 : memref<125xi32, #tpu.memory_space<vmem>>) semaphore(%arg13 : memref<!tpu.dma_semaphore, #tpu.memory_space<semaphore_mem>>)
      %add3A_739 = arith.constant 4 : i32
      %add3A_740 = arith.addi %add3A_539, %add3A_739 : i32
      %dma_wait3A_741 = arith.constant 1 : i32
      %dma_wait3A_742 = arith.constant 0 : i32
      %dma_wait3A_743 = arith.constant 0 : i32
      %dma_wait3A_744 = tpu.memref_slice %arg9[%dma_wait3A_741, %dma_wait3A_742, %dma_wait3A_743] : memref<6x125x64xf32, #tpu.memory_space<vmem>> -> memref<1x125x64xf32, #tpu.memory_space<vmem>>
      %dma_wait3A_745 = tpu.memref_squeeze %dma_wait3A_744 : memref<1x125x64xf32, #tpu.memory_space<vmem>> -> memref<125x64xf32, #tpu.memory_space<vmem>>
      %dma_wait3A_746 = arith.constant 0 : i32
      %dma_wait3A_747 = tpu.memref_slice %arg7[%add3A_740, %dma_wait3A_746] : memref<160x125xi32, #tpu.memory_space<vmem>> -> memref<1x125xi32, #tpu.memory_space<vmem>>
      %dma_wait3A_748 = tpu.memref_squeeze %dma_wait3A_747 : memref<1x125xi32, #tpu.memory_space<vmem>> -> memref<125xi32, #tpu.memory_space<vmem>>
      %dma_wait3A_749 = arith.constant 0 : i32
      %dma_wait3A_750 = arith.constant 0 : i32
      %dma_wait3A_751 = tpu.memref_slice %arg2[%dma_wait3A_749, %dma_wait3A_750] : memref<20000x64xf32, #tpu.memory_space<hbm>> -> memref<20000x64xf32, #tpu.memory_space<hbm>>
      tpu.wait_indirect_dma semaphore(%arg11 : memref<!tpu.dma_semaphore, #tpu.memory_space<semaphore_mem>>) src(%dma_wait3A_751 : memref<20000x64xf32, #tpu.memory_space<hbm>>) dst(%dma_wait3A_745 : memref<125x64xf32, #tpu.memory_space<vmem>>)
      %dma_start3A_752 = arith.constant 1 : i32
      %dma_start3A_753 = arith.constant 0 : i32
      %dma_start3A_754 = arith.constant 0 : i32
      %dma_start3A_755 = tpu.memref_slice %arg9[%dma_start3A_752, %dma_start3A_753, %dma_start3A_754] : memref<6x125x64xf32, #tpu.memory_space<vmem>> -> memref<1x125x64xf32, #tpu.memory_space<vmem>>
      %dma_start3A_756 = tpu.memref_squeeze %dma_start3A_755 : memref<1x125x64xf32, #tpu.memory_space<vmem>> -> memref<125x64xf32, #tpu.memory_space<vmem>>
      %dma_start3A_757 = arith.constant 0 : i32
      %dma_start3A_758 = tpu.memref_slice %arg8[%add3A_740, %dma_start3A_757] : memref<160x125xi32, #tpu.memory_space<vmem>> -> memref<1x125xi32, #tpu.memory_space<vmem>>
      %dma_start3A_759 = tpu.memref_squeeze %dma_start3A_758 : memref<1x125xi32, #tpu.memory_space<vmem>> -> memref<125xi32, #tpu.memory_space<vmem>>
      %dma_start3A_760 = arith.constant 0 : i32
      %dma_start3A_761 = arith.constant 0 : i32
      %dma_start3A_762 = tpu.memref_slice %arg6[%dma_start3A_760, %dma_start3A_761] : memref<10000x64xf32, #tpu.memory_space<vmem_shared>> -> memref<10000x64xf32, #tpu.memory_space<vmem_shared>>
      tpu.enqueue_indirect_dma source(%dma_start3A_756 : memref<125x64xf32, #tpu.memory_space<vmem>>) target(%dma_start3A_762 : memref<10000x64xf32, #tpu.memory_space<vmem_shared>>) offsets(%dma_start3A_759 : memref<125xi32, #tpu.memory_space<vmem>>) semaphore(%arg17 : memref<!tpu.dma_semaphore, #tpu.memory_space<semaphore_mem>>) {add = true}
      %sub3A_763 = arith.constant 3 : i32
      %sub3A_764 = arith.subi %add3A_740, %sub3A_763 : i32
      %dma_wait3A_765 = arith.constant 4 : i32
      %dma_wait3A_766 = arith.constant 0 : i32
      %dma_wait3A_767 = arith.constant 0 : i32
      %dma_wait3A_768 = tpu.memref_slice %arg9[%dma_wait3A_765, %dma_wait3A_766, %dma_wait3A_767] : memref<6x125x64xf32, #tpu.memory_space<vmem>> -> memref<1x125x64xf32, #tpu.memory_space<vmem>>
      %dma_wait3A_769 = tpu.memref_squeeze %dma_wait3A_768 : memref<1x125x64xf32, #tpu.memory_space<vmem>> -> memref<125x64xf32, #tpu.memory_space<vmem>>
      %dma_wait3A_770 = arith.constant 0 : i32
      %dma_wait3A_771 = tpu.memref_slice %arg8[%sub3A_764, %dma_wait3A_770] : memref<160x125xi32, #tpu.memory_space<vmem>> -> memref<1x125xi32, #tpu.memory_space<vmem>>
      %dma_wait3A_772 = tpu.memref_squeeze %dma_wait3A_771 : memref<1x125xi32, #tpu.memory_space<vmem>> -> memref<125xi32, #tpu.memory_space<vmem>>
      %dma_wait3A_773 = arith.constant 0 : i32
      %dma_wait3A_774 = arith.constant 0 : i32
      %dma_wait3A_775 = tpu.memref_slice %arg6[%dma_wait3A_773, %dma_wait3A_774] : memref<10000x64xf32, #tpu.memory_space<vmem_shared>> -> memref<10000x64xf32, #tpu.memory_space<vmem_shared>>
      tpu.wait_indirect_dma semaphore(%arg20 : memref<!tpu.dma_semaphore, #tpu.memory_space<semaphore_mem>>) src(%dma_wait3A_769 : memref<125x64xf32, #tpu.memory_space<vmem>>) dst(%dma_wait3A_775 : memref<10000x64xf32, #tpu.memory_space<vmem_shared>>)
      %add3A_776 = arith.constant 3 : i32
      %add3A_777 = arith.addi %add3A_740, %add3A_776 : i32
      %dma_start3A_778 = arith.constant 4 : i32
      %dma_start3A_779 = arith.constant 0 : i32
      %dma_start3A_780 = arith.constant 0 : i32
      %dma_start3A_781 = tpu.memref_slice %arg9[%dma_start3A_778, %dma_start3A_779, %dma_start3A_780] : memref<6x125x64xf32, #tpu.memory_space<vmem>> -> memref<1x125x64xf32, #tpu.memory_space<vmem>>
      %dma_start3A_782 = tpu.memref_squeeze %dma_start3A_781 : memref<1x125x64xf32, #tpu.memory_space<vmem>> -> memref<125x64xf32, #tpu.memory_space<vmem>>
      %dma_start3A_783 = arith.constant 0 : i32
      %dma_start3A_784 = tpu.memref_slice %arg7[%add3A_777, %dma_start3A_783] : memref<160x125xi32, #tpu.memory_space<vmem>> -> memref<1x125xi32, #tpu.memory_space<vmem>>
      %dma_start3A_785 = tpu.memref_squeeze %dma_start3A_784 : memref<1x125xi32, #tpu.memory_space<vmem>> -> memref<125xi32, #tpu.memory_space<vmem>>
      %dma_start3A_786 = arith.constant 0 : i32
      %dma_start3A_787 = arith.constant 0 : i32
      %dma_start3A_788 = tpu.memref_slice %arg2[%dma_start3A_786, %dma_start3A_787] : memref<20000x64xf32, #tpu.memory_space<hbm>> -> memref<20000x64xf32, #tpu.memory_space<hbm>>
      tpu.enqueue_indirect_dma source(%dma_start3A_788 : memref<20000x64xf32, #tpu.memory_space<hbm>>) target(%dma_start3A_782 : memref<125x64xf32, #tpu.memory_space<vmem>>) offsets(%dma_start3A_785 : memref<125xi32, #tpu.memory_space<vmem>>) semaphore(%arg14 : memref<!tpu.dma_semaphore, #tpu.memory_space<semaphore_mem>>)
      %add3A_789 = arith.constant 5 : i32
      %add3A_790 = arith.addi %add3A_539, %add3A_789 : i32
      %dma_wait3A_791 = arith.constant 2 : i32
      %dma_wait3A_792 = arith.constant 0 : i32
      %dma_wait3A_793 = arith.constant 0 : i32
      %dma_wait3A_794 = tpu.memref_slice %arg9[%dma_wait3A_791, %dma_wait3A_792, %dma_wait3A_793] : memref<6x125x64xf32, #tpu.memory_space<vmem>> -> memref<1x125x64xf32, #tpu.memory_space<vmem>>
      %dma_wait3A_795 = tpu.memref_squeeze %dma_wait3A_794 : memref<1x125x64xf32, #tpu.memory_space<vmem>> -> memref<125x64xf32, #tpu.memory_space<vmem>>
      %dma_wait3A_796 = arith.constant 0 : i32
      %dma_wait3A_797 = tpu.memref_slice %arg7[%add3A_790, %dma_wait3A_796] : memref<160x125xi32, #tpu.memory_space<vmem>> -> memref<1x125xi32, #tpu.memory_space<vmem>>
      %dma_wait3A_798 = tpu.memref_squeeze %dma_wait3A_797 : memref<1x125xi32, #tpu.memory_space<vmem>> -> memref<125xi32, #tpu.memory_space<vmem>>
      %dma_wait3A_799 = arith.constant 0 : i32
      %dma_wait3A_800 = arith.constant 0 : i32
      %dma_wait3A_801 = tpu.memref_slice %arg2[%dma_wait3A_799, %dma_wait3A_800] : memref<20000x64xf32, #tpu.memory_space<hbm>> -> memref<20000x64xf32, #tpu.memory_space<hbm>>
      tpu.wait_indirect_dma semaphore(%arg12 : memref<!tpu.dma_semaphore, #tpu.memory_space<semaphore_mem>>) src(%dma_wait3A_801 : memref<20000x64xf32, #tpu.memory_space<hbm>>) dst(%dma_wait3A_795 : memref<125x64xf32, #tpu.memory_space<vmem>>)
      %dma_start3A_802 = arith.constant 2 : i32
      %dma_start3A_803 = arith.constant 0 : i32
      %dma_start3A_804 = arith.constant 0 : i32
      %dma_start3A_805 = tpu.memref_slice %arg9[%dma_start3A_802, %dma_start3A_803, %dma_start3A_804] : memref<6x125x64xf32, #tpu.memory_space<vmem>> -> memref<1x125x64xf32, #tpu.memory_space<vmem>>
      %dma_start3A_806 = tpu.memref_squeeze %dma_start3A_805 : memref<1x125x64xf32, #tpu.memory_space<vmem>> -> memref<125x64xf32, #tpu.memory_space<vmem>>
      %dma_start3A_807 = arith.constant 0 : i32
      %dma_start3A_808 = tpu.memref_slice %arg8[%add3A_790, %dma_start3A_807] : memref<160x125xi32, #tpu.memory_space<vmem>> -> memref<1x125xi32, #tpu.memory_space<vmem>>
      %dma_start3A_809 = tpu.memref_squeeze %dma_start3A_808 : memref<1x125xi32, #tpu.memory_space<vmem>> -> memref<125xi32, #tpu.memory_space<vmem>>
      %dma_start3A_810 = arith.constant 0 : i32
      %dma_start3A_811 = arith.constant 0 : i32
      %dma_start3A_812 = tpu.memref_slice %arg6[%dma_start3A_810, %dma_start3A_811] : memref<10000x64xf32, #tpu.memory_space<vmem_shared>> -> memref<10000x64xf32, #tpu.memory_space<vmem_shared>>
      tpu.enqueue_indirect_dma source(%dma_start3A_806 : memref<125x64xf32, #tpu.memory_space<vmem>>) target(%dma_start3A_812 : memref<10000x64xf32, #tpu.memory_space<vmem_shared>>) offsets(%dma_start3A_809 : memref<125xi32, #tpu.memory_space<vmem>>) semaphore(%arg18 : memref<!tpu.dma_semaphore, #tpu.memory_space<semaphore_mem>>) {add = true}
      %sub3A_813 = arith.constant 3 : i32
      %sub3A_814 = arith.subi %add3A_790, %sub3A_813 : i32
      %dma_wait3A_815 = arith.constant 5 : i32
      %dma_wait3A_816 = arith.constant 0 : i32
      %dma_wait3A_817 = arith.constant 0 : i32
      %dma_wait3A_818 = tpu.memref_slice %arg9[%dma_wait3A_815, %dma_wait3A_816, %dma_wait3A_817] : memref<6x125x64xf32, #tpu.memory_space<vmem>> -> memref<1x125x64xf32, #tpu.memory_space<vmem>>
      %dma_wait3A_819 = tpu.memref_squeeze %dma_wait3A_818 : memref<1x125x64xf32, #tpu.memory_space<vmem>> -> memref<125x64xf32, #tpu.memory_space<vmem>>
      %dma_wait3A_820 = arith.constant 0 : i32
      %dma_wait3A_821 = tpu.memref_slice %arg8[%sub3A_814, %dma_wait3A_820] : memref<160x125xi32, #tpu.memory_space<vmem>> -> memref<1x125xi32, #tpu.memory_space<vmem>>
      %dma_wait3A_822 = tpu.memref_squeeze %dma_wait3A_821 : memref<1x125xi32, #tpu.memory_space<vmem>> -> memref<125xi32, #tpu.memory_space<vmem>>
      %dma_wait3A_823 = arith.constant 0 : i32
      %dma_wait3A_824 = arith.constant 0 : i32
      %dma_wait3A_825 = tpu.memref_slice %arg6[%dma_wait3A_823, %dma_wait3A_824] : memref<10000x64xf32, #tpu.memory_space<vmem_shared>> -> memref<10000x64xf32, #tpu.memory_space<vmem_shared>>
      tpu.wait_indirect_dma semaphore(%arg21 : memref<!tpu.dma_semaphore, #tpu.memory_space<semaphore_mem>>) src(%dma_wait3A_819 : memref<125x64xf32, #tpu.memory_space<vmem>>) dst(%dma_wait3A_825 : memref<10000x64xf32, #tpu.memory_space<vmem_shared>>)
      %add3A_826 = arith.constant 3 : i32
      %add3A_827 = arith.addi %add3A_790, %add3A_826 : i32
      %dma_start3A_828 = arith.constant 5 : i32
      %dma_start3A_829 = arith.constant 0 : i32
      %dma_start3A_830 = arith.constant 0 : i32
      %dma_start3A_831 = tpu.memref_slice %arg9[%dma_start3A_828, %dma_start3A_829, %dma_start3A_830] : memref<6x125x64xf32, #tpu.memory_space<vmem>> -> memref<1x125x64xf32, #tpu.memory_space<vmem>>
      %dma_start3A_832 = tpu.memref_squeeze %dma_start3A_831 : memref<1x125x64xf32, #tpu.memory_space<vmem>> -> memref<125x64xf32, #tpu.memory_space<vmem>>
      %dma_start3A_833 = arith.constant 0 : i32
      %dma_start3A_834 = tpu.memref_slice %arg7[%add3A_827, %dma_start3A_833] : memref<160x125xi32, #tpu.memory_space<vmem>> -> memref<1x125xi32, #tpu.memory_space<vmem>>
      %dma_start3A_835 = tpu.memref_squeeze %dma_start3A_834 : memref<1x125xi32, #tpu.memory_space<vmem>> -> memref<125xi32, #tpu.memory_space<vmem>>
      %dma_start3A_836 = arith.constant 0 : i32
      %dma_start3A_837 = arith.constant 0 : i32
      %dma_start3A_838 = tpu.memref_slice %arg2[%dma_start3A_836, %dma_start3A_837] : memref<20000x64xf32, #tpu.memory_space<hbm>> -> memref<20000x64xf32, #tpu.memory_space<hbm>>
      tpu.enqueue_indirect_dma source(%dma_start3A_838 : memref<20000x64xf32, #tpu.memory_space<hbm>>) target(%dma_start3A_832 : memref<125x64xf32, #tpu.memory_space<vmem>>) offsets(%dma_start3A_835 : memref<125xi32, #tpu.memory_space<vmem>>) semaphore(%arg15 : memref<!tpu.dma_semaphore, #tpu.memory_space<semaphore_mem>>)
    }
    %scan3A_197 = arith.constant 25 : i32
    %dma_wait3A_198 = arith.constant 153 : i32
    %dma_wait3A_199 = arith.constant 3 : i32
    %dma_wait3A_200 = arith.constant 0 : i32
    %dma_wait3A_201 = arith.constant 0 : i32
    %dma_wait3A_202 = tpu.memref_slice %arg9[%dma_wait3A_199, %dma_wait3A_200, %dma_wait3A_201] : memref<6x125x64xf32, #tpu.memory_space<vmem>> -> memref<1x125x64xf32, #tpu.memory_space<vmem>>
    %dma_wait3A_203 = tpu.memref_squeeze %dma_wait3A_202 : memref<1x125x64xf32, #tpu.memory_space<vmem>> -> memref<125x64xf32, #tpu.memory_space<vmem>>
    %dma_wait3A_204 = arith.constant 0 : i32
    %dma_wait3A_205 = tpu.memref_slice %arg7[%dma_wait3A_198, %dma_wait3A_204] : memref<160x125xi32, #tpu.memory_space<vmem>> -> memref<1x125xi32, #tpu.memory_space<vmem>>
    %dma_wait3A_206 = tpu.memref_squeeze %dma_wait3A_205 : memref<1x125xi32, #tpu.memory_space<vmem>> -> memref<125xi32, #tpu.memory_space<vmem>>
    %dma_wait3A_207 = arith.constant 0 : i32
    %dma_wait3A_208 = arith.constant 0 : i32
    %dma_wait3A_209 = tpu.memref_slice %arg2[%dma_wait3A_207, %dma_wait3A_208] : memref<20000x64xf32, #tpu.memory_space<hbm>> -> memref<20000x64xf32, #tpu.memory_space<hbm>>
    tpu.wait_indirect_dma semaphore(%arg13 : memref<!tpu.dma_semaphore, #tpu.memory_space<semaphore_mem>>) src(%dma_wait3A_209 : memref<20000x64xf32, #tpu.memory_space<hbm>>) dst(%dma_wait3A_203 : memref<125x64xf32, #tpu.memory_space<vmem>>)
    %dma_start3A_210 = arith.constant 3 : i32
    %dma_start3A_211 = arith.constant 153 : i32
    %dma_start3A_212 = arith.constant 0 : i32
    %dma_start3A_213 = arith.constant 0 : i32
    %dma_start3A_214 = tpu.memref_slice %arg9[%dma_start3A_210, %dma_start3A_212, %dma_start3A_213] : memref<6x125x64xf32, #tpu.memory_space<vmem>> -> memref<1x125x64xf32, #tpu.memory_space<vmem>>
    %dma_start3A_215 = tpu.memref_squeeze %dma_start3A_214 : memref<1x125x64xf32, #tpu.memory_space<vmem>> -> memref<125x64xf32, #tpu.memory_space<vmem>>
    %dma_start3A_216 = arith.constant 0 : i32
    %dma_start3A_217 = tpu.memref_slice %arg8[%dma_start3A_211, %dma_start3A_216] : memref<160x125xi32, #tpu.memory_space<vmem>> -> memref<1x125xi32, #tpu.memory_space<vmem>>
    %dma_start3A_218 = tpu.memref_squeeze %dma_start3A_217 : memref<1x125xi32, #tpu.memory_space<vmem>> -> memref<125xi32, #tpu.memory_space<vmem>>
    %dma_start3A_219 = arith.constant 0 : i32
    %dma_start3A_220 = arith.constant 0 : i32
    %dma_start3A_221 = tpu.memref_slice %arg6[%dma_start3A_219, %dma_start3A_220] : memref<10000x64xf32, #tpu.memory_space<vmem_shared>> -> memref<10000x64xf32, #tpu.memory_space<vmem_shared>>
    tpu.enqueue_indirect_dma source(%dma_start3A_215 : memref<125x64xf32, #tpu.memory_space<vmem>>) target(%dma_start3A_221 : memref<10000x64xf32, #tpu.memory_space<vmem_shared>>) offsets(%dma_start3A_218 : memref<125xi32, #tpu.memory_space<vmem>>) semaphore(%arg19 : memref<!tpu.dma_semaphore, #tpu.memory_space<semaphore_mem>>) {add = true}
    %dma_wait3A_222 = arith.constant 0 : i32
    %dma_wait3A_223 = arith.constant 150 : i32
    %dma_wait3A_224 = arith.constant 0 : i32
    %dma_wait3A_225 = arith.constant 0 : i32
    %dma_wait3A_226 = tpu.memref_slice %arg9[%dma_wait3A_222, %dma_wait3A_224, %dma_wait3A_225] : memref<6x125x64xf32, #tpu.memory_space<vmem>> -> memref<1x125x64xf32, #tpu.memory_space<vmem>>
    %dma_wait3A_227 = tpu.memref_squeeze %dma_wait3A_226 : memref<1x125x64xf32, #tpu.memory_space<vmem>> -> memref<125x64xf32, #tpu.memory_space<vmem>>
    %dma_wait3A_228 = arith.constant 0 : i32
    %dma_wait3A_229 = tpu.memref_slice %arg8[%dma_wait3A_223, %dma_wait3A_228] : memref<160x125xi32, #tpu.memory_space<vmem>> -> memref<1x125xi32, #tpu.memory_space<vmem>>
    %dma_wait3A_230 = tpu.memref_squeeze %dma_wait3A_229 : memref<1x125xi32, #tpu.memory_space<vmem>> -> memref<125xi32, #tpu.memory_space<vmem>>
    %dma_wait3A_231 = arith.constant 0 : i32
    %dma_wait3A_232 = arith.constant 0 : i32
    %dma_wait3A_233 = tpu.memref_slice %arg6[%dma_wait3A_231, %dma_wait3A_232] : memref<10000x64xf32, #tpu.memory_space<vmem_shared>> -> memref<10000x64xf32, #tpu.memory_space<vmem_shared>>
    tpu.wait_indirect_dma semaphore(%arg16 : memref<!tpu.dma_semaphore, #tpu.memory_space<semaphore_mem>>) src(%dma_wait3A_227 : memref<125x64xf32, #tpu.memory_space<vmem>>) dst(%dma_wait3A_233 : memref<10000x64xf32, #tpu.memory_space<vmem_shared>>)
    %dma_start3A_234 = arith.constant 156 : i32
    %dma_start3A_235 = arith.constant 0 : i32
    %dma_start3A_236 = arith.constant 0 : i32
    %dma_start3A_237 = arith.constant 0 : i32
    %dma_start3A_238 = tpu.memref_slice %arg9[%dma_start3A_235, %dma_start3A_236, %dma_start3A_237] : memref<6x125x64xf32, #tpu.memory_space<vmem>> -> memref<1x125x64xf32, #tpu.memory_space<vmem>>
    %dma_start3A_239 = tpu.memref_squeeze %dma_start3A_238 : memref<1x125x64xf32, #tpu.memory_space<vmem>> -> memref<125x64xf32, #tpu.memory_space<vmem>>
    %dma_start3A_240 = arith.constant 0 : i32
    %dma_start3A_241 = tpu.memref_slice %arg7[%dma_start3A_234, %dma_start3A_240] : memref<160x125xi32, #tpu.memory_space<vmem>> -> memref<1x125xi32, #tpu.memory_space<vmem>>
    %dma_start3A_242 = tpu.memref_squeeze %dma_start3A_241 : memref<1x125xi32, #tpu.memory_space<vmem>> -> memref<125xi32, #tpu.memory_space<vmem>>
    %dma_start3A_243 = arith.constant 0 : i32
    %dma_start3A_244 = arith.constant 0 : i32
    %dma_start3A_245 = tpu.memref_slice %arg2[%dma_start3A_243, %dma_start3A_244] : memref<20000x64xf32, #tpu.memory_space<hbm>> -> memref<20000x64xf32, #tpu.memory_space<hbm>>
    tpu.enqueue_indirect_dma source(%dma_start3A_245 : memref<20000x64xf32, #tpu.memory_space<hbm>>) target(%dma_start3A_239 : memref<125x64xf32, #tpu.memory_space<vmem>>) offsets(%dma_start3A_242 : memref<125xi32, #tpu.memory_space<vmem>>) semaphore(%arg10 : memref<!tpu.dma_semaphore, #tpu.memory_space<semaphore_mem>>)
    %dma_wait3A_246 = arith.constant 154 : i32
    %dma_wait3A_247 = arith.constant 4 : i32
    %dma_wait3A_248 = arith.constant 0 : i32
    %dma_wait3A_249 = arith.constant 0 : i32
    %dma_wait3A_250 = tpu.memref_slice %arg9[%dma_wait3A_247, %dma_wait3A_248, %dma_wait3A_249] : memref<6x125x64xf32, #tpu.memory_space<vmem>> -> memref<1x125x64xf32, #tpu.memory_space<vmem>>
    %dma_wait3A_251 = tpu.memref_squeeze %dma_wait3A_250 : memref<1x125x64xf32, #tpu.memory_space<vmem>> -> memref<125x64xf32, #tpu.memory_space<vmem>>
    %dma_wait3A_252 = arith.constant 0 : i32
    %dma_wait3A_253 = tpu.memref_slice %arg7[%dma_wait3A_246, %dma_wait3A_252] : memref<160x125xi32, #tpu.memory_space<vmem>> -> memref<1x125xi32, #tpu.memory_space<vmem>>
    %dma_wait3A_254 = tpu.memref_squeeze %dma_wait3A_253 : memref<1x125xi32, #tpu.memory_space<vmem>> -> memref<125xi32, #tpu.memory_space<vmem>>
    %dma_wait3A_255 = arith.constant 0 : i32
    %dma_wait3A_256 = arith.constant 0 : i32
    %dma_wait3A_257 = tpu.memref_slice %arg2[%dma_wait3A_255, %dma_wait3A_256] : memref<20000x64xf32, #tpu.memory_space<hbm>> -> memref<20000x64xf32, #tpu.memory_space<hbm>>
    tpu.wait_indirect_dma semaphore(%arg14 : memref<!tpu.dma_semaphore, #tpu.memory_space<semaphore_mem>>) src(%dma_wait3A_257 : memref<20000x64xf32, #tpu.memory_space<hbm>>) dst(%dma_wait3A_251 : memref<125x64xf32, #tpu.memory_space<vmem>>)
    %dma_start3A_258 = arith.constant 4 : i32
    %dma_start3A_259 = arith.constant 154 : i32
    %dma_start3A_260 = arith.constant 0 : i32
    %dma_start3A_261 = arith.constant 0 : i32
    %dma_start3A_262 = tpu.memref_slice %arg9[%dma_start3A_258, %dma_start3A_260, %dma_start3A_261] : memref<6x125x64xf32, #tpu.memory_space<vmem>> -> memref<1x125x64xf32, #tpu.memory_space<vmem>>
    %dma_start3A_263 = tpu.memref_squeeze %dma_start3A_262 : memref<1x125x64xf32, #tpu.memory_space<vmem>> -> memref<125x64xf32, #tpu.memory_space<vmem>>
    %dma_start3A_264 = arith.constant 0 : i32
    %dma_start3A_265 = tpu.memref_slice %arg8[%dma_start3A_259, %dma_start3A_264] : memref<160x125xi32, #tpu.memory_space<vmem>> -> memref<1x125xi32, #tpu.memory_space<vmem>>
    %dma_start3A_266 = tpu.memref_squeeze %dma_start3A_265 : memref<1x125xi32, #tpu.memory_space<vmem>> -> memref<125xi32, #tpu.memory_space<vmem>>
    %dma_start3A_267 = arith.constant 0 : i32
    %dma_start3A_268 = arith.constant 0 : i32
    %dma_start3A_269 = tpu.memref_slice %arg6[%dma_start3A_267, %dma_start3A_268] : memref<10000x64xf32, #tpu.memory_space<vmem_shared>> -> memref<10000x64xf32, #tpu.memory_space<vmem_shared>>
    tpu.enqueue_indirect_dma source(%dma_start3A_263 : memref<125x64xf32, #tpu.memory_space<vmem>>) target(%dma_start3A_269 : memref<10000x64xf32, #tpu.memory_space<vmem_shared>>) offsets(%dma_start3A_266 : memref<125xi32, #tpu.memory_space<vmem>>) semaphore(%arg20 : memref<!tpu.dma_semaphore, #tpu.memory_space<semaphore_mem>>) {add = true}
    %dma_wait3A_270 = arith.constant 1 : i32
    %dma_wait3A_271 = arith.constant 151 : i32
    %dma_wait3A_272 = arith.constant 0 : i32
    %dma_wait3A_273 = arith.constant 0 : i32
    %dma_wait3A_274 = tpu.memref_slice %arg9[%dma_wait3A_270, %dma_wait3A_272, %dma_wait3A_273] : memref<6x125x64xf32, #tpu.memory_space<vmem>> -> memref<1x125x64xf32, #tpu.memory_space<vmem>>
    %dma_wait3A_275 = tpu.memref_squeeze %dma_wait3A_274 : memref<1x125x64xf32, #tpu.memory_space<vmem>> -> memref<125x64xf32, #tpu.memory_space<vmem>>
    %dma_wait3A_276 = arith.constant 0 : i32
    %dma_wait3A_277 = tpu.memref_slice %arg8[%dma_wait3A_271, %dma_wait3A_276] : memref<160x125xi32, #tpu.memory_space<vmem>> -> memref<1x125xi32, #tpu.memory_space<vmem>>
    %dma_wait3A_278 = tpu.memref_squeeze %dma_wait3A_277 : memref<1x125xi32, #tpu.memory_space<vmem>> -> memref<125xi32, #tpu.memory_space<vmem>>
    %dma_wait3A_279 = arith.constant 0 : i32
    %dma_wait3A_280 = arith.constant 0 : i32
    %dma_wait3A_281 = tpu.memref_slice %arg6[%dma_wait3A_279, %dma_wait3A_280] : memref<10000x64xf32, #tpu.memory_space<vmem_shared>> -> memref<10000x64xf32, #tpu.memory_space<vmem_shared>>
    tpu.wait_indirect_dma semaphore(%arg17 : memref<!tpu.dma_semaphore, #tpu.memory_space<semaphore_mem>>) src(%dma_wait3A_275 : memref<125x64xf32, #tpu.memory_space<vmem>>) dst(%dma_wait3A_281 : memref<10000x64xf32, #tpu.memory_space<vmem_shared>>)
    %dma_start3A_282 = arith.constant 157 : i32
    %dma_start3A_283 = arith.constant 1 : i32
    %dma_start3A_284 = arith.constant 0 : i32
    %dma_start3A_285 = arith.constant 0 : i32
    %dma_start3A_286 = tpu.memref_slice %arg9[%dma_start3A_283, %dma_start3A_284, %dma_start3A_285] : memref<6x125x64xf32, #tpu.memory_space<vmem>> -> memref<1x125x64xf32, #tpu.memory_space<vmem>>
    %dma_start3A_287 = tpu.memref_squeeze %dma_start3A_286 : memref<1x125x64xf32, #tpu.memory_space<vmem>> -> memref<125x64xf32, #tpu.memory_space<vmem>>
    %dma_start3A_288 = arith.constant 0 : i32
    %dma_start3A_289 = tpu.memref_slice %arg7[%dma_start3A_282, %dma_start3A_288] : memref<160x125xi32, #tpu.memory_space<vmem>> -> memref<1x125xi32, #tpu.memory_space<vmem>>
    %dma_start3A_290 = tpu.memref_squeeze %dma_start3A_289 : memref<1x125xi32, #tpu.memory_space<vmem>> -> memref<125xi32, #tpu.memory_space<vmem>>
    %dma_start3A_291 = arith.constant 0 : i32
    %dma_start3A_292 = arith.constant 0 : i32
    %dma_start3A_293 = tpu.memref_slice %arg2[%dma_start3A_291, %dma_start3A_292] : memref<20000x64xf32, #tpu.memory_space<hbm>> -> memref<20000x64xf32, #tpu.memory_space<hbm>>
    tpu.enqueue_indirect_dma source(%dma_start3A_293 : memref<20000x64xf32, #tpu.memory_space<hbm>>) target(%dma_start3A_287 : memref<125x64xf32, #tpu.memory_space<vmem>>) offsets(%dma_start3A_290 : memref<125xi32, #tpu.memory_space<vmem>>) semaphore(%arg11 : memref<!tpu.dma_semaphore, #tpu.memory_space<semaphore_mem>>)
    %dma_wait3A_294 = arith.constant 155 : i32
    %dma_wait3A_295 = arith.constant 5 : i32
    %dma_wait3A_296 = arith.constant 0 : i32
    %dma_wait3A_297 = arith.constant 0 : i32
    %dma_wait3A_298 = tpu.memref_slice %arg9[%dma_wait3A_295, %dma_wait3A_296, %dma_wait3A_297] : memref<6x125x64xf32, #tpu.memory_space<vmem>> -> memref<1x125x64xf32, #tpu.memory_space<vmem>>
    %dma_wait3A_299 = tpu.memref_squeeze %dma_wait3A_298 : memref<1x125x64xf32, #tpu.memory_space<vmem>> -> memref<125x64xf32, #tpu.memory_space<vmem>>
    %dma_wait3A_300 = arith.constant 0 : i32
    %dma_wait3A_301 = tpu.memref_slice %arg7[%dma_wait3A_294, %dma_wait3A_300] : memref<160x125xi32, #tpu.memory_space<vmem>> -> memref<1x125xi32, #tpu.memory_space<vmem>>
    %dma_wait3A_302 = tpu.memref_squeeze %dma_wait3A_301 : memref<1x125xi32, #tpu.memory_space<vmem>> -> memref<125xi32, #tpu.memory_space<vmem>>
    %dma_wait3A_303 = arith.constant 0 : i32
    %dma_wait3A_304 = arith.constant 0 : i32
    %dma_wait3A_305 = tpu.memref_slice %arg2[%dma_wait3A_303, %dma_wait3A_304] : memref<20000x64xf32, #tpu.memory_space<hbm>> -> memref<20000x64xf32, #tpu.memory_space<hbm>>
    tpu.wait_indirect_dma semaphore(%arg15 : memref<!tpu.dma_semaphore, #tpu.memory_space<semaphore_mem>>) src(%dma_wait3A_305 : memref<20000x64xf32, #tpu.memory_space<hbm>>) dst(%dma_wait3A_299 : memref<125x64xf32, #tpu.memory_space<vmem>>)
    %dma_start3A_306 = arith.constant 5 : i32
    %dma_start3A_307 = arith.constant 155 : i32
    %dma_start3A_308 = arith.constant 0 : i32
    %dma_start3A_309 = arith.constant 0 : i32
    %dma_start3A_310 = tpu.memref_slice %arg9[%dma_start3A_306, %dma_start3A_308, %dma_start3A_309] : memref<6x125x64xf32, #tpu.memory_space<vmem>> -> memref<1x125x64xf32, #tpu.memory_space<vmem>>
    %dma_start3A_311 = tpu.memref_squeeze %dma_start3A_310 : memref<1x125x64xf32, #tpu.memory_space<vmem>> -> memref<125x64xf32, #tpu.memory_space<vmem>>
    %dma_start3A_312 = arith.constant 0 : i32
    %dma_start3A_313 = tpu.memref_slice %arg8[%dma_start3A_307, %dma_start3A_312] : memref<160x125xi32, #tpu.memory_space<vmem>> -> memref<1x125xi32, #tpu.memory_space<vmem>>
    %dma_start3A_314 = tpu.memref_squeeze %dma_start3A_313 : memref<1x125xi32, #tpu.memory_space<vmem>> -> memref<125xi32, #tpu.memory_space<vmem>>
    %dma_start3A_315 = arith.constant 0 : i32
    %dma_start3A_316 = arith.constant 0 : i32
    %dma_start3A_317 = tpu.memref_slice %arg6[%dma_start3A_315, %dma_start3A_316] : memref<10000x64xf32, #tpu.memory_space<vmem_shared>> -> memref<10000x64xf32, #tpu.memory_space<vmem_shared>>
    tpu.enqueue_indirect_dma source(%dma_start3A_311 : memref<125x64xf32, #tpu.memory_space<vmem>>) target(%dma_start3A_317 : memref<10000x64xf32, #tpu.memory_space<vmem_shared>>) offsets(%dma_start3A_314 : memref<125xi32, #tpu.memory_space<vmem>>) semaphore(%arg21 : memref<!tpu.dma_semaphore, #tpu.memory_space<semaphore_mem>>) {add = true}
    %dma_wait3A_318 = arith.constant 2 : i32
    %dma_wait3A_319 = arith.constant 152 : i32
    %dma_wait3A_320 = arith.constant 0 : i32
    %dma_wait3A_321 = arith.constant 0 : i32
    %dma_wait3A_322 = tpu.memref_slice %arg9[%dma_wait3A_318, %dma_wait3A_320, %dma_wait3A_321] : memref<6x125x64xf32, #tpu.memory_space<vmem>> -> memref<1x125x64xf32, #tpu.memory_space<vmem>>
    %dma_wait3A_323 = tpu.memref_squeeze %dma_wait3A_322 : memref<1x125x64xf32, #tpu.memory_space<vmem>> -> memref<125x64xf32, #tpu.memory_space<vmem>>
    %dma_wait3A_324 = arith.constant 0 : i32
    %dma_wait3A_325 = tpu.memref_slice %arg8[%dma_wait3A_319, %dma_wait3A_324] : memref<160x125xi32, #tpu.memory_space<vmem>> -> memref<1x125xi32, #tpu.memory_space<vmem>>
    %dma_wait3A_326 = tpu.memref_squeeze %dma_wait3A_325 : memref<1x125xi32, #tpu.memory_space<vmem>> -> memref<125xi32, #tpu.memory_space<vmem>>
    %dma_wait3A_327 = arith.constant 0 : i32
    %dma_wait3A_328 = arith.constant 0 : i32
    %dma_wait3A_329 = tpu.memref_slice %arg6[%dma_wait3A_327, %dma_wait3A_328] : memref<10000x64xf32, #tpu.memory_space<vmem_shared>> -> memref<10000x64xf32, #tpu.memory_space<vmem_shared>>
    tpu.wait_indirect_dma semaphore(%arg18 : memref<!tpu.dma_semaphore, #tpu.memory_space<semaphore_mem>>) src(%dma_wait3A_323 : memref<125x64xf32, #tpu.memory_space<vmem>>) dst(%dma_wait3A_329 : memref<10000x64xf32, #tpu.memory_space<vmem_shared>>)
    %dma_start3A_330 = arith.constant 158 : i32
    %dma_start3A_331 = arith.constant 2 : i32
    %dma_start3A_332 = arith.constant 0 : i32
    %dma_start3A_333 = arith.constant 0 : i32
    %dma_start3A_334 = tpu.memref_slice %arg9[%dma_start3A_331, %dma_start3A_332, %dma_start3A_333] : memref<6x125x64xf32, #tpu.memory_space<vmem>> -> memref<1x125x64xf32, #tpu.memory_space<vmem>>
    %dma_start3A_335 = tpu.memref_squeeze %dma_start3A_334 : memref<1x125x64xf32, #tpu.memory_space<vmem>> -> memref<125x64xf32, #tpu.memory_space<vmem>>
    %dma_start3A_336 = arith.constant 0 : i32
    %dma_start3A_337 = tpu.memref_slice %arg7[%dma_start3A_330, %dma_start3A_336] : memref<160x125xi32, #tpu.memory_space<vmem>> -> memref<1x125xi32, #tpu.memory_space<vmem>>
    %dma_start3A_338 = tpu.memref_squeeze %dma_start3A_337 : memref<1x125xi32, #tpu.memory_space<vmem>> -> memref<125xi32, #tpu.memory_space<vmem>>
    %dma_start3A_339 = arith.constant 0 : i32
    %dma_start3A_340 = arith.constant 0 : i32
    %dma_start3A_341 = tpu.memref_slice %arg2[%dma_start3A_339, %dma_start3A_340] : memref<20000x64xf32, #tpu.memory_space<hbm>> -> memref<20000x64xf32, #tpu.memory_space<hbm>>
    tpu.enqueue_indirect_dma source(%dma_start3A_341 : memref<20000x64xf32, #tpu.memory_space<hbm>>) target(%dma_start3A_335 : memref<125x64xf32, #tpu.memory_space<vmem>>) offsets(%dma_start3A_338 : memref<125xi32, #tpu.memory_space<vmem>>) semaphore(%arg12 : memref<!tpu.dma_semaphore, #tpu.memory_space<semaphore_mem>>)
    %dma_wait3A_342 = arith.constant 156 : i32
    %dma_wait3A_343 = arith.constant 0 : i32
    %dma_wait3A_344 = arith.constant 0 : i32
    %dma_wait3A_345 = arith.constant 0 : i32
    %dma_wait3A_346 = tpu.memref_slice %arg9[%dma_wait3A_343, %dma_wait3A_344, %dma_wait3A_345] : memref<6x125x64xf32, #tpu.memory_space<vmem>> -> memref<1x125x64xf32, #tpu.memory_space<vmem>>
    %dma_wait3A_347 = tpu.memref_squeeze %dma_wait3A_346 : memref<1x125x64xf32, #tpu.memory_space<vmem>> -> memref<125x64xf32, #tpu.memory_space<vmem>>
    %dma_wait3A_348 = arith.constant 0 : i32
    %dma_wait3A_349 = tpu.memref_slice %arg7[%dma_wait3A_342, %dma_wait3A_348] : memref<160x125xi32, #tpu.memory_space<vmem>> -> memref<1x125xi32, #tpu.memory_space<vmem>>
    %dma_wait3A_350 = tpu.memref_squeeze %dma_wait3A_349 : memref<1x125xi32, #tpu.memory_space<vmem>> -> memref<125xi32, #tpu.memory_space<vmem>>
    %dma_wait3A_351 = arith.constant 0 : i32
    %dma_wait3A_352 = arith.constant 0 : i32
    %dma_wait3A_353 = tpu.memref_slice %arg2[%dma_wait3A_351, %dma_wait3A_352] : memref<20000x64xf32, #tpu.memory_space<hbm>> -> memref<20000x64xf32, #tpu.memory_space<hbm>>
    tpu.wait_indirect_dma semaphore(%arg10 : memref<!tpu.dma_semaphore, #tpu.memory_space<semaphore_mem>>) src(%dma_wait3A_353 : memref<20000x64xf32, #tpu.memory_space<hbm>>) dst(%dma_wait3A_347 : memref<125x64xf32, #tpu.memory_space<vmem>>)
    %dma_start3A_354 = arith.constant 0 : i32
    %dma_start3A_355 = arith.constant 156 : i32
    %dma_start3A_356 = arith.constant 0 : i32
    %dma_start3A_357 = arith.constant 0 : i32
    %dma_start3A_358 = tpu.memref_slice %arg9[%dma_start3A_354, %dma_start3A_356, %dma_start3A_357] : memref<6x125x64xf32, #tpu.memory_space<vmem>> -> memref<1x125x64xf32, #tpu.memory_space<vmem>>
    %dma_start3A_359 = tpu.memref_squeeze %dma_start3A_358 : memref<1x125x64xf32, #tpu.memory_space<vmem>> -> memref<125x64xf32, #tpu.memory_space<vmem>>
    %dma_start3A_360 = arith.constant 0 : i32
    %dma_start3A_361 = tpu.memref_slice %arg8[%dma_start3A_355, %dma_start3A_360] : memref<160x125xi32, #tpu.memory_space<vmem>> -> memref<1x125xi32, #tpu.memory_space<vmem>>
    %dma_start3A_362 = tpu.memref_squeeze %dma_start3A_361 : memref<1x125xi32, #tpu.memory_space<vmem>> -> memref<125xi32, #tpu.memory_space<vmem>>
    %dma_start3A_363 = arith.constant 0 : i32
    %dma_start3A_364 = arith.constant 0 : i32
    %dma_start3A_365 = tpu.memref_slice %arg6[%dma_start3A_363, %dma_start3A_364] : memref<10000x64xf32, #tpu.memory_space<vmem_shared>> -> memref<10000x64xf32, #tpu.memory_space<vmem_shared>>
    tpu.enqueue_indirect_dma source(%dma_start3A_359 : memref<125x64xf32, #tpu.memory_space<vmem>>) target(%dma_start3A_365 : memref<10000x64xf32, #tpu.memory_space<vmem_shared>>) offsets(%dma_start3A_362 : memref<125xi32, #tpu.memory_space<vmem>>) semaphore(%arg16 : memref<!tpu.dma_semaphore, #tpu.memory_space<semaphore_mem>>) {add = true}
    %dma_wait3A_366 = arith.constant 3 : i32
    %dma_wait3A_367 = arith.constant 153 : i32
    %dma_wait3A_368 = arith.constant 0 : i32
    %dma_wait3A_369 = arith.constant 0 : i32
    %dma_wait3A_370 = tpu.memref_slice %arg9[%dma_wait3A_366, %dma_wait3A_368, %dma_wait3A_369] : memref<6x125x64xf32, #tpu.memory_space<vmem>> -> memref<1x125x64xf32, #tpu.memory_space<vmem>>
    %dma_wait3A_371 = tpu.memref_squeeze %dma_wait3A_370 : memref<1x125x64xf32, #tpu.memory_space<vmem>> -> memref<125x64xf32, #tpu.memory_space<vmem>>
    %dma_wait3A_372 = arith.constant 0 : i32
    %dma_wait3A_373 = tpu.memref_slice %arg8[%dma_wait3A_367, %dma_wait3A_372] : memref<160x125xi32, #tpu.memory_space<vmem>> -> memref<1x125xi32, #tpu.memory_space<vmem>>
    %dma_wait3A_374 = tpu.memref_squeeze %dma_wait3A_373 : memref<1x125xi32, #tpu.memory_space<vmem>> -> memref<125xi32, #tpu.memory_space<vmem>>
    %dma_wait3A_375 = arith.constant 0 : i32
    %dma_wait3A_376 = arith.constant 0 : i32
    %dma_wait3A_377 = tpu.memref_slice %arg6[%dma_wait3A_375, %dma_wait3A_376] : memref<10000x64xf32, #tpu.memory_space<vmem_shared>> -> memref<10000x64xf32, #tpu.memory_space<vmem_shared>>
    tpu.wait_indirect_dma semaphore(%arg19 : memref<!tpu.dma_semaphore, #tpu.memory_space<semaphore_mem>>) src(%dma_wait3A_371 : memref<125x64xf32, #tpu.memory_space<vmem>>) dst(%dma_wait3A_377 : memref<10000x64xf32, #tpu.memory_space<vmem_shared>>)
    %dma_start3A_378 = arith.constant 159 : i32
    %dma_start3A_379 = arith.constant 3 : i32
    %dma_start3A_380 = arith.constant 0 : i32
    %dma_start3A_381 = arith.constant 0 : i32
    %dma_start3A_382 = tpu.memref_slice %arg9[%dma_start3A_379, %dma_start3A_380, %dma_start3A_381] : memref<6x125x64xf32, #tpu.memory_space<vmem>> -> memref<1x125x64xf32, #tpu.memory_space<vmem>>
    %dma_start3A_383 = tpu.memref_squeeze %dma_start3A_382 : memref<1x125x64xf32, #tpu.memory_space<vmem>> -> memref<125x64xf32, #tpu.memory_space<vmem>>
    %dma_start3A_384 = arith.constant 0 : i32
    %dma_start3A_385 = tpu.memref_slice %arg7[%dma_start3A_378, %dma_start3A_384] : memref<160x125xi32, #tpu.memory_space<vmem>> -> memref<1x125xi32, #tpu.memory_space<vmem>>
    %dma_start3A_386 = tpu.memref_squeeze %dma_start3A_385 : memref<1x125xi32, #tpu.memory_space<vmem>> -> memref<125xi32, #tpu.memory_space<vmem>>
    %dma_start3A_387 = arith.constant 0 : i32
    %dma_start3A_388 = arith.constant 0 : i32
    %dma_start3A_389 = tpu.memref_slice %arg2[%dma_start3A_387, %dma_start3A_388] : memref<20000x64xf32, #tpu.memory_space<hbm>> -> memref<20000x64xf32, #tpu.memory_space<hbm>>
    tpu.enqueue_indirect_dma source(%dma_start3A_389 : memref<20000x64xf32, #tpu.memory_space<hbm>>) target(%dma_start3A_383 : memref<125x64xf32, #tpu.memory_space<vmem>>) offsets(%dma_start3A_386 : memref<125xi32, #tpu.memory_space<vmem>>) semaphore(%arg13 : memref<!tpu.dma_semaphore, #tpu.memory_space<semaphore_mem>>)
    %dma_wait3A_390 = arith.constant 157 : i32
    %dma_wait3A_391 = arith.constant 1 : i32
    %dma_wait3A_392 = arith.constant 0 : i32
    %dma_wait3A_393 = arith.constant 0 : i32
    %dma_wait3A_394 = tpu.memref_slice %arg9[%dma_wait3A_391, %dma_wait3A_392, %dma_wait3A_393] : memref<6x125x64xf32, #tpu.memory_space<vmem>> -> memref<1x125x64xf32, #tpu.memory_space<vmem>>
    %dma_wait3A_395 = tpu.memref_squeeze %dma_wait3A_394 : memref<1x125x64xf32, #tpu.memory_space<vmem>> -> memref<125x64xf32, #tpu.memory_space<vmem>>
    %dma_wait3A_396 = arith.constant 0 : i32
    %dma_wait3A_397 = tpu.memref_slice %arg7[%dma_wait3A_390, %dma_wait3A_396] : memref<160x125xi32, #tpu.memory_space<vmem>> -> memref<1x125xi32, #tpu.memory_space<vmem>>
    %dma_wait3A_398 = tpu.memref_squeeze %dma_wait3A_397 : memref<1x125xi32, #tpu.memory_space<vmem>> -> memref<125xi32, #tpu.memory_space<vmem>>
    %dma_wait3A_399 = arith.constant 0 : i32
    %dma_wait3A_400 = arith.constant 0 : i32
    %dma_wait3A_401 = tpu.memref_slice %arg2[%dma_wait3A_399, %dma_wait3A_400] : memref<20000x64xf32, #tpu.memory_space<hbm>> -> memref<20000x64xf32, #tpu.memory_space<hbm>>
    tpu.wait_indirect_dma semaphore(%arg11 : memref<!tpu.dma_semaphore, #tpu.memory_space<semaphore_mem>>) src(%dma_wait3A_401 : memref<20000x64xf32, #tpu.memory_space<hbm>>) dst(%dma_wait3A_395 : memref<125x64xf32, #tpu.memory_space<vmem>>)
    %dma_start3A_402 = arith.constant 1 : i32
    %dma_start3A_403 = arith.constant 157 : i32
    %dma_start3A_404 = arith.constant 0 : i32
    %dma_start3A_405 = arith.constant 0 : i32
    %dma_start3A_406 = tpu.memref_slice %arg9[%dma_start3A_402, %dma_start3A_404, %dma_start3A_405] : memref<6x125x64xf32, #tpu.memory_space<vmem>> -> memref<1x125x64xf32, #tpu.memory_space<vmem>>
    %dma_start3A_407 = tpu.memref_squeeze %dma_start3A_406 : memref<1x125x64xf32, #tpu.memory_space<vmem>> -> memref<125x64xf32, #tpu.memory_space<vmem>>
    %dma_start3A_408 = arith.constant 0 : i32
    %dma_start3A_409 = tpu.memref_slice %arg8[%dma_start3A_403, %dma_start3A_408] : memref<160x125xi32, #tpu.memory_space<vmem>> -> memref<1x125xi32, #tpu.memory_space<vmem>>
    %dma_start3A_410 = tpu.memref_squeeze %dma_start3A_409 : memref<1x125xi32, #tpu.memory_space<vmem>> -> memref<125xi32, #tpu.memory_space<vmem>>
    %dma_start3A_411 = arith.constant 0 : i32
    %dma_start3A_412 = arith.constant 0 : i32
    %dma_start3A_413 = tpu.memref_slice %arg6[%dma_start3A_411, %dma_start3A_412] : memref<10000x64xf32, #tpu.memory_space<vmem_shared>> -> memref<10000x64xf32, #tpu.memory_space<vmem_shared>>
    tpu.enqueue_indirect_dma source(%dma_start3A_407 : memref<125x64xf32, #tpu.memory_space<vmem>>) target(%dma_start3A_413 : memref<10000x64xf32, #tpu.memory_space<vmem_shared>>) offsets(%dma_start3A_410 : memref<125xi32, #tpu.memory_space<vmem>>) semaphore(%arg17 : memref<!tpu.dma_semaphore, #tpu.memory_space<semaphore_mem>>) {add = true}
    %dma_wait3A_414 = arith.constant 4 : i32
    %dma_wait3A_415 = arith.constant 154 : i32
    %dma_wait3A_416 = arith.constant 0 : i32
    %dma_wait3A_417 = arith.constant 0 : i32
    %dma_wait3A_418 = tpu.memref_slice %arg9[%dma_wait3A_414, %dma_wait3A_416, %dma_wait3A_417] : memref<6x125x64xf32, #tpu.memory_space<vmem>> -> memref<1x125x64xf32, #tpu.memory_space<vmem>>
    %dma_wait3A_419 = tpu.memref_squeeze %dma_wait3A_418 : memref<1x125x64xf32, #tpu.memory_space<vmem>> -> memref<125x64xf32, #tpu.memory_space<vmem>>
    %dma_wait3A_420 = arith.constant 0 : i32
    %dma_wait3A_421 = tpu.memref_slice %arg8[%dma_wait3A_415, %dma_wait3A_420] : memref<160x125xi32, #tpu.memory_space<vmem>> -> memref<1x125xi32, #tpu.memory_space<vmem>>
    %dma_wait3A_422 = tpu.memref_squeeze %dma_wait3A_421 : memref<1x125xi32, #tpu.memory_space<vmem>> -> memref<125xi32, #tpu.memory_space<vmem>>
    %dma_wait3A_423 = arith.constant 0 : i32
    %dma_wait3A_424 = arith.constant 0 : i32
    %dma_wait3A_425 = tpu.memref_slice %arg6[%dma_wait3A_423, %dma_wait3A_424] : memref<10000x64xf32, #tpu.memory_space<vmem_shared>> -> memref<10000x64xf32, #tpu.memory_space<vmem_shared>>
    tpu.wait_indirect_dma semaphore(%arg20 : memref<!tpu.dma_semaphore, #tpu.memory_space<semaphore_mem>>) src(%dma_wait3A_419 : memref<125x64xf32, #tpu.memory_space<vmem>>) dst(%dma_wait3A_425 : memref<10000x64xf32, #tpu.memory_space<vmem_shared>>)
    %dma_wait3A_426 = arith.constant 158 : i32
    %dma_wait3A_427 = arith.constant 2 : i32
    %dma_wait3A_428 = arith.constant 0 : i32
    %dma_wait3A_429 = arith.constant 0 : i32
    %dma_wait3A_430 = tpu.memref_slice %arg9[%dma_wait3A_427, %dma_wait3A_428, %dma_wait3A_429] : memref<6x125x64xf32, #tpu.memory_space<vmem>> -> memref<1x125x64xf32, #tpu.memory_space<vmem>>
    %dma_wait3A_431 = tpu.memref_squeeze %dma_wait3A_430 : memref<1x125x64xf32, #tpu.memory_space<vmem>> -> memref<125x64xf32, #tpu.memory_space<vmem>>
    %dma_wait3A_432 = arith.constant 0 : i32
    %dma_wait3A_433 = tpu.memref_slice %arg7[%dma_wait3A_426, %dma_wait3A_432] : memref<160x125xi32, #tpu.memory_space<vmem>> -> memref<1x125xi32, #tpu.memory_space<vmem>>
    %dma_wait3A_434 = tpu.memref_squeeze %dma_wait3A_433 : memref<1x125xi32, #tpu.memory_space<vmem>> -> memref<125xi32, #tpu.memory_space<vmem>>
    %dma_wait3A_435 = arith.constant 0 : i32
    %dma_wait3A_436 = arith.constant 0 : i32
    %dma_wait3A_437 = tpu.memref_slice %arg2[%dma_wait3A_435, %dma_wait3A_436] : memref<20000x64xf32, #tpu.memory_space<hbm>> -> memref<20000x64xf32, #tpu.memory_space<hbm>>
    tpu.wait_indirect_dma semaphore(%arg12 : memref<!tpu.dma_semaphore, #tpu.memory_space<semaphore_mem>>) src(%dma_wait3A_437 : memref<20000x64xf32, #tpu.memory_space<hbm>>) dst(%dma_wait3A_431 : memref<125x64xf32, #tpu.memory_space<vmem>>)
    %dma_start3A_438 = arith.constant 2 : i32
    %dma_start3A_439 = arith.constant 158 : i32
    %dma_start3A_440 = arith.constant 0 : i32
    %dma_start3A_441 = arith.constant 0 : i32
    %dma_start3A_442 = tpu.memref_slice %arg9[%dma_start3A_438, %dma_start3A_440, %dma_start3A_441] : memref<6x125x64xf32, #tpu.memory_space<vmem>> -> memref<1x125x64xf32, #tpu.memory_space<vmem>>
    %dma_start3A_443 = tpu.memref_squeeze %dma_start3A_442 : memref<1x125x64xf32, #tpu.memory_space<vmem>> -> memref<125x64xf32, #tpu.memory_space<vmem>>
    %dma_start3A_444 = arith.constant 0 : i32
    %dma_start3A_445 = tpu.memref_slice %arg8[%dma_start3A_439, %dma_start3A_444] : memref<160x125xi32, #tpu.memory_space<vmem>> -> memref<1x125xi32, #tpu.memory_space<vmem>>
    %dma_start3A_446 = tpu.memref_squeeze %dma_start3A_445 : memref<1x125xi32, #tpu.memory_space<vmem>> -> memref<125xi32, #tpu.memory_space<vmem>>
    %dma_start3A_447 = arith.constant 0 : i32
    %dma_start3A_448 = arith.constant 0 : i32
    %dma_start3A_449 = tpu.memref_slice %arg6[%dma_start3A_447, %dma_start3A_448] : memref<10000x64xf32, #tpu.memory_space<vmem_shared>> -> memref<10000x64xf32, #tpu.memory_space<vmem_shared>>
    tpu.enqueue_indirect_dma source(%dma_start3A_443 : memref<125x64xf32, #tpu.memory_space<vmem>>) target(%dma_start3A_449 : memref<10000x64xf32, #tpu.memory_space<vmem_shared>>) offsets(%dma_start3A_446 : memref<125xi32, #tpu.memory_space<vmem>>) semaphore(%arg18 : memref<!tpu.dma_semaphore, #tpu.memory_space<semaphore_mem>>) {add = true}
    %dma_wait3A_450 = arith.constant 5 : i32
    %dma_wait3A_451 = arith.constant 155 : i32
    %dma_wait3A_452 = arith.constant 0 : i32
    %dma_wait3A_453 = arith.constant 0 : i32
    %dma_wait3A_454 = tpu.memref_slice %arg9[%dma_wait3A_450, %dma_wait3A_452, %dma_wait3A_453] : memref<6x125x64xf32, #tpu.memory_space<vmem>> -> memref<1x125x64xf32, #tpu.memory_space<vmem>>
    %dma_wait3A_455 = tpu.memref_squeeze %dma_wait3A_454 : memref<1x125x64xf32, #tpu.memory_space<vmem>> -> memref<125x64xf32, #tpu.memory_space<vmem>>
    %dma_wait3A_456 = arith.constant 0 : i32
    %dma_wait3A_457 = tpu.memref_slice %arg8[%dma_wait3A_451, %dma_wait3A_456] : memref<160x125xi32, #tpu.memory_space<vmem>> -> memref<1x125xi32, #tpu.memory_space<vmem>>
    %dma_wait3A_458 = tpu.memref_squeeze %dma_wait3A_457 : memref<1x125xi32, #tpu.memory_space<vmem>> -> memref<125xi32, #tpu.memory_space<vmem>>
    %dma_wait3A_459 = arith.constant 0 : i32
    %dma_wait3A_460 = arith.constant 0 : i32
    %dma_wait3A_461 = tpu.memref_slice %arg6[%dma_wait3A_459, %dma_wait3A_460] : memref<10000x64xf32, #tpu.memory_space<vmem_shared>> -> memref<10000x64xf32, #tpu.memory_space<vmem_shared>>
    tpu.wait_indirect_dma semaphore(%arg21 : memref<!tpu.dma_semaphore, #tpu.memory_space<semaphore_mem>>) src(%dma_wait3A_455 : memref<125x64xf32, #tpu.memory_space<vmem>>) dst(%dma_wait3A_461 : memref<10000x64xf32, #tpu.memory_space<vmem_shared>>)
    %dma_wait3A_462 = arith.constant 159 : i32
    %dma_wait3A_463 = arith.constant 3 : i32
    %dma_wait3A_464 = arith.constant 0 : i32
    %dma_wait3A_465 = arith.constant 0 : i32
    %dma_wait3A_466 = tpu.memref_slice %arg9[%dma_wait3A_463, %dma_wait3A_464, %dma_wait3A_465] : memref<6x125x64xf32, #tpu.memory_space<vmem>> -> memref<1x125x64xf32, #tpu.memory_space<vmem>>
    %dma_wait3A_467 = tpu.memref_squeeze %dma_wait3A_466 : memref<1x125x64xf32, #tpu.memory_space<vmem>> -> memref<125x64xf32, #tpu.memory_space<vmem>>
    %dma_wait3A_468 = arith.constant 0 : i32
    %dma_wait3A_469 = tpu.memref_slice %arg7[%dma_wait3A_462, %dma_wait3A_468] : memref<160x125xi32, #tpu.memory_space<vmem>> -> memref<1x125xi32, #tpu.memory_space<vmem>>
    %dma_wait3A_470 = tpu.memref_squeeze %dma_wait3A_469 : memref<1x125xi32, #tpu.memory_space<vmem>> -> memref<125xi32, #tpu.memory_space<vmem>>
    %dma_wait3A_471 = arith.constant 0 : i32
    %dma_wait3A_472 = arith.constant 0 : i32
    %dma_wait3A_473 = tpu.memref_slice %arg2[%dma_wait3A_471, %dma_wait3A_472] : memref<20000x64xf32, #tpu.memory_space<hbm>> -> memref<20000x64xf32, #tpu.memory_space<hbm>>
    tpu.wait_indirect_dma semaphore(%arg13 : memref<!tpu.dma_semaphore, #tpu.memory_space<semaphore_mem>>) src(%dma_wait3A_473 : memref<20000x64xf32, #tpu.memory_space<hbm>>) dst(%dma_wait3A_467 : memref<125x64xf32, #tpu.memory_space<vmem>>)
    %dma_start3A_474 = arith.constant 3 : i32
    %dma_start3A_475 = arith.constant 159 : i32
    %dma_start3A_476 = arith.constant 0 : i32
    %dma_start3A_477 = arith.constant 0 : i32
    %dma_start3A_478 = tpu.memref_slice %arg9[%dma_start3A_474, %dma_start3A_476, %dma_start3A_477] : memref<6x125x64xf32, #tpu.memory_space<vmem>> -> memref<1x125x64xf32, #tpu.memory_space<vmem>>
    %dma_start3A_479 = tpu.memref_squeeze %dma_start3A_478 : memref<1x125x64xf32, #tpu.memory_space<vmem>> -> memref<125x64xf32, #tpu.memory_space<vmem>>
    %dma_start3A_480 = arith.constant 0 : i32
    %dma_start3A_481 = tpu.memref_slice %arg8[%dma_start3A_475, %dma_start3A_480] : memref<160x125xi32, #tpu.memory_space<vmem>> -> memref<1x125xi32, #tpu.memory_space<vmem>>
    %dma_start3A_482 = tpu.memref_squeeze %dma_start3A_481 : memref<1x125xi32, #tpu.memory_space<vmem>> -> memref<125xi32, #tpu.memory_space<vmem>>
    %dma_start3A_483 = arith.constant 0 : i32
    %dma_start3A_484 = arith.constant 0 : i32
    %dma_start3A_485 = tpu.memref_slice %arg6[%dma_start3A_483, %dma_start3A_484] : memref<10000x64xf32, #tpu.memory_space<vmem_shared>> -> memref<10000x64xf32, #tpu.memory_space<vmem_shared>>
    tpu.enqueue_indirect_dma source(%dma_start3A_479 : memref<125x64xf32, #tpu.memory_space<vmem>>) target(%dma_start3A_485 : memref<10000x64xf32, #tpu.memory_space<vmem_shared>>) offsets(%dma_start3A_482 : memref<125xi32, #tpu.memory_space<vmem>>) semaphore(%arg19 : memref<!tpu.dma_semaphore, #tpu.memory_space<semaphore_mem>>) {add = true}
    %dma_wait3A_486 = arith.constant 0 : i32
    %dma_wait3A_487 = arith.constant 156 : i32
    %dma_wait3A_488 = arith.constant 0 : i32
    %dma_wait3A_489 = arith.constant 0 : i32
    %dma_wait3A_490 = tpu.memref_slice %arg9[%dma_wait3A_486, %dma_wait3A_488, %dma_wait3A_489] : memref<6x125x64xf32, #tpu.memory_space<vmem>> -> memref<1x125x64xf32, #tpu.memory_space<vmem>>
    %dma_wait3A_491 = tpu.memref_squeeze %dma_wait3A_490 : memref<1x125x64xf32, #tpu.memory_space<vmem>> -> memref<125x64xf32, #tpu.memory_space<vmem>>
    %dma_wait3A_492 = arith.constant 0 : i32
    %dma_wait3A_493 = tpu.memref_slice %arg8[%dma_wait3A_487, %dma_wait3A_492] : memref<160x125xi32, #tpu.memory_space<vmem>> -> memref<1x125xi32, #tpu.memory_space<vmem>>
    %dma_wait3A_494 = tpu.memref_squeeze %dma_wait3A_493 : memref<1x125xi32, #tpu.memory_space<vmem>> -> memref<125xi32, #tpu.memory_space<vmem>>
    %dma_wait3A_495 = arith.constant 0 : i32
    %dma_wait3A_496 = arith.constant 0 : i32
    %dma_wait3A_497 = tpu.memref_slice %arg6[%dma_wait3A_495, %dma_wait3A_496] : memref<10000x64xf32, #tpu.memory_space<vmem_shared>> -> memref<10000x64xf32, #tpu.memory_space<vmem_shared>>
    tpu.wait_indirect_dma semaphore(%arg16 : memref<!tpu.dma_semaphore, #tpu.memory_space<semaphore_mem>>) src(%dma_wait3A_491 : memref<125x64xf32, #tpu.memory_space<vmem>>) dst(%dma_wait3A_497 : memref<10000x64xf32, #tpu.memory_space<vmem_shared>>)
    %dma_wait3A_498 = arith.constant 1 : i32
    %dma_wait3A_499 = arith.constant 157 : i32
    %dma_wait3A_500 = arith.constant 0 : i32
    %dma_wait3A_501 = arith.constant 0 : i32
    %dma_wait3A_502 = tpu.memref_slice %arg9[%dma_wait3A_498, %dma_wait3A_500, %dma_wait3A_501] : memref<6x125x64xf32, #tpu.memory_space<vmem>> -> memref<1x125x64xf32, #tpu.memory_space<vmem>>
    %dma_wait3A_503 = tpu.memref_squeeze %dma_wait3A_502 : memref<1x125x64xf32, #tpu.memory_space<vmem>> -> memref<125x64xf32, #tpu.memory_space<vmem>>
    %dma_wait3A_504 = arith.constant 0 : i32
    %dma_wait3A_505 = tpu.memref_slice %arg8[%dma_wait3A_499, %dma_wait3A_504] : memref<160x125xi32, #tpu.memory_space<vmem>> -> memref<1x125xi32, #tpu.memory_space<vmem>>
    %dma_wait3A_506 = tpu.memref_squeeze %dma_wait3A_505 : memref<1x125xi32, #tpu.memory_space<vmem>> -> memref<125xi32, #tpu.memory_space<vmem>>
    %dma_wait3A_507 = arith.constant 0 : i32
    %dma_wait3A_508 = arith.constant 0 : i32
    %dma_wait3A_509 = tpu.memref_slice %arg6[%dma_wait3A_507, %dma_wait3A_508] : memref<10000x64xf32, #tpu.memory_space<vmem_shared>> -> memref<10000x64xf32, #tpu.memory_space<vmem_shared>>
    tpu.wait_indirect_dma semaphore(%arg17 : memref<!tpu.dma_semaphore, #tpu.memory_space<semaphore_mem>>) src(%dma_wait3A_503 : memref<125x64xf32, #tpu.memory_space<vmem>>) dst(%dma_wait3A_509 : memref<10000x64xf32, #tpu.memory_space<vmem_shared>>)
    %dma_wait3A_510 = arith.constant 2 : i32
    %dma_wait3A_511 = arith.constant 158 : i32
    %dma_wait3A_512 = arith.constant 0 : i32
    %dma_wait3A_513 = arith.constant 0 : i32
    %dma_wait3A_514 = tpu.memref_slice %arg9[%dma_wait3A_510, %dma_wait3A_512, %dma_wait3A_513] : memref<6x125x64xf32, #tpu.memory_space<vmem>> -> memref<1x125x64xf32, #tpu.memory_space<vmem>>
    %dma_wait3A_515 = tpu.memref_squeeze %dma_wait3A_514 : memref<1x125x64xf32, #tpu.memory_space<vmem>> -> memref<125x64xf32, #tpu.memory_space<vmem>>
    %dma_wait3A_516 = arith.constant 0 : i32
    %dma_wait3A_517 = tpu.memref_slice %arg8[%dma_wait3A_511, %dma_wait3A_516] : memref<160x125xi32, #tpu.memory_space<vmem>> -> memref<1x125xi32, #tpu.memory_space<vmem>>
    %dma_wait3A_518 = tpu.memref_squeeze %dma_wait3A_517 : memref<1x125xi32, #tpu.memory_space<vmem>> -> memref<125xi32, #tpu.memory_space<vmem>>
    %dma_wait3A_519 = arith.constant 0 : i32
    %dma_wait3A_520 = arith.constant 0 : i32
    %dma_wait3A_521 = tpu.memref_slice %arg6[%dma_wait3A_519, %dma_wait3A_520] : memref<10000x64xf32, #tpu.memory_space<vmem_shared>> -> memref<10000x64xf32, #tpu.memory_space<vmem_shared>>
    tpu.wait_indirect_dma semaphore(%arg18 : memref<!tpu.dma_semaphore, #tpu.memory_space<semaphore_mem>>) src(%dma_wait3A_515 : memref<125x64xf32, #tpu.memory_space<vmem>>) dst(%dma_wait3A_521 : memref<10000x64xf32, #tpu.memory_space<vmem_shared>>)
    %dma_wait3A_522 = arith.constant 3 : i32
    %dma_wait3A_523 = arith.constant 159 : i32
    %dma_wait3A_524 = arith.constant 0 : i32
    %dma_wait3A_525 = arith.constant 0 : i32
    %dma_wait3A_526 = tpu.memref_slice %arg9[%dma_wait3A_522, %dma_wait3A_524, %dma_wait3A_525] : memref<6x125x64xf32, #tpu.memory_space<vmem>> -> memref<1x125x64xf32, #tpu.memory_space<vmem>>
    %dma_wait3A_527 = tpu.memref_squeeze %dma_wait3A_526 : memref<1x125x64xf32, #tpu.memory_space<vmem>> -> memref<125x64xf32, #tpu.memory_space<vmem>>
    %dma_wait3A_528 = arith.constant 0 : i32
    %dma_wait3A_529 = tpu.memref_slice %arg8[%dma_wait3A_523, %dma_wait3A_528] : memref<160x125xi32, #tpu.memory_space<vmem>> -> memref<1x125xi32, #tpu.memory_space<vmem>>
    %dma_wait3A_530 = tpu.memref_squeeze %dma_wait3A_529 : memref<1x125xi32, #tpu.memory_space<vmem>> -> memref<125xi32, #tpu.memory_space<vmem>>
    %dma_wait3A_531 = arith.constant 0 : i32
    %dma_wait3A_532 = arith.constant 0 : i32
    %dma_wait3A_533 = tpu.memref_slice %arg6[%dma_wait3A_531, %dma_wait3A_532] : memref<10000x64xf32, #tpu.memory_space<vmem_shared>> -> memref<10000x64xf32, #tpu.memory_space<vmem_shared>>
    tpu.wait_indirect_dma semaphore(%arg19 : memref<!tpu.dma_semaphore, #tpu.memory_space<semaphore_mem>>) src(%dma_wait3A_527 : memref<125x64xf32, #tpu.memory_space<vmem>>) dst(%dma_wait3A_533 : memref<10000x64xf32, #tpu.memory_space<vmem_shared>>)
    %barrier3A_534 = arith.constant 0 : index
    tpu.barrier barrier_id(%barrier3A_534)
    "tpu.region"() ({
      %run_scoped3A_535 = tpu.sem_alloc : memref<!tpu.dma_semaphore, #tpu.memory_space<semaphore_mem>>
      %dma_start3A_536 = tpu.memref_slice %arg5[%mul3A_0, %mul3A_2] : memref<10000x128xf32, #tpu.memory_space<hbm>> -> memref<625x64xf32, #tpu.memory_space<hbm>>
      %dma_start3A_537 = arith.constant 0 : i32
      %dma_start3A_538 = tpu.memref_slice %arg6[%mul3A_0, %dma_start3A_537] : memref<10000x64xf32, #tpu.memory_space<vmem_shared>> -> memref<625x64xf32, #tpu.memory_space<vmem_shared>>
      tpu.enqueue_dma source(%dma_start3A_538 : memref<625x64xf32, #tpu.memory_space<vmem_shared>>) target(%dma_start3A_536 : memref<625x64xf32, #tpu.memory_space<hbm>>) target_semaphore(%run_scoped3A_535 : memref<!tpu.dma_semaphore, #tpu.memory_space<semaphore_mem>>)
      %dma_wait3A_539 = tpu.memref_slice %arg5[%mul3A_0, %mul3A_2] : memref<10000x128xf32, #tpu.memory_space<hbm>> -> memref<625x64xf32, #tpu.memory_space<hbm>>
      %dma_wait3A_540 = arith.constant 0 : i32
      %dma_wait3A_541 = tpu.memref_slice %arg6[%mul3A_0, %dma_wait3A_540] : memref<10000x64xf32, #tpu.memory_space<vmem_shared>> -> memref<625x64xf32, #tpu.memory_space<vmem_shared>>
      tpu.wait_dma2 semaphore(%run_scoped3A_535 : memref<!tpu.dma_semaphore, #tpu.memory_space<semaphore_mem>>) src(%dma_wait3A_541 : memref<625x64xf32, #tpu.memory_space<vmem_shared>>) dst(%dma_wait3A_539 : memref<625x64xf32, #tpu.memory_space<hbm>>)
      tpu.yield
    }) : () -> ()
    return
  }
}

</mosaic_0001>

<sc_bundles>
// kernel: kernel.3.cloned.1.call-start
scs
__scs_entry_jumppad:
0x0: {  	(pc) =	sbr.rel $0x88, $3  }
0x1: {  	(tag) =	ssettag $0x0;
	lr =	simm.s32 $0x1  }
0x2: {  	[smem:$0x3F9F] =	sst lr;
	_ =	strace $0xD0000000  }
0x3: {  	_ = 	snop  }
0x4: {  	_ = 	snop  }
0x5: {  	_ = 	snop  }
0x6: {  	_ = 	snop  }
0x7: {  	_ = 	snop  }
__scs_overlays_trampoline_lowered:
0x8: {  	[smem:$0x3FAE] =	sst s0  }
0x9: {  	[smem:$0x3FAF] =	sst s1  }
0xa: {  	[smem:$0x3FB0] =	sst s2  }
0xb: {  	[smem:$0x3FB1] =	sst s3  }
0xc: {  	[smem:$0x3FB2] =	sst s4  }
0xd: {  	[smem:$0x3FB3] =	sst s5  }
0xe: {  	[smem:$0x3FB4] =	sst s6  }
0xf: {  	[smem:$0x3FB5] =	sst s7  }
0x10: {  	[smem:$0x3FB6] =	sst s8  }
0x11: {  	[smem:$0x3FB7] =	sst s9;
	s0 =	simm.s32 @!p0 $0x0  }
0x12: {  	s1 =	sld [smem:$0x3F9D];
	s0 =	simm.s32 @p0 $0x1  }
0x13: {  	[smem:$0x3FB8] =	sst s0;
	s0 =	simm.s32 @!p1 $0x0  }
0x14: {  	s2 =	sld [smem:$0x3F9C];
	s0 =	simm.s32 @p1 $0x1  }
0x15: {  	[smem:$0x3FB9] =	sst s0;
	s0 =	simm.s32 @!p2 $0x0  }
0x16: {  	s3 =	sld [smem:$0x3FDB];
	s0 =	simm.s32 @p2 $0x1  }
0x17: {  	s4 =	simm.s32 $0x1BF5;
	[smem:$0x3FBB] =	sst s0  }
0x18: {  	s0 =	sld [smem:$0x3F9E];
	_ =	swait.ge [sflag:s4], $0x0  }
0x19: {  	s7 =	sld [smem:$0x3F9F]  }
0x1a: {  	s8 =	sadd.s32 $0xFFFFE003, lr  }
0x1b: {  	s9 =	sadd.s32 $0xFFFFFEF7, lr;
	s5 =	simm.s32 $0xFFFFFFFF;
	p2 =	slt.u32 s8, $0xFFFFF086  }
0x1c: {  	p1 =	slt.u32 s9, $0xF7A;
	s5 =	simm.s32 @!p2 $0x0  }
0x1d: {  	s5 =	simm.s32 @p1 $0x1;
	p0 =	seq.s32 s7, s2  }
0x1e: {  	s7 =	smul.u32 @!p0 $0xF7A, s2;
	p2 =	seq.s32 @!p0 s5, $0x0  }
0x1f: {  	s9 =	smul.u32 $0xF7A, s1;
	s8 =	simm.s32 @!p0 $0x1BF5;
	p2 =	por !p2, p0  }
0x20: {  	[sflag:s8] =	ssyncset.s32 @!p0 $0xFFFFF086;
	s6 =	sadd.s32 @!p0 s3, s7;
	s7 =	simm.s32 @!p0 $0x108  }
0x21: {  	s3 =	sadd.s32 s3, s9;
	s6 =	sadd.s32 @!p0 $0x88, s6;
	s7 =	simm.s32 @p2 $0x1082  }
0x22: {  	[simem:s7], [sflag:s8] =	dma.local @!p0 [hbm:s6], $0xF7A  }
0x23: {  	s9 =	sor.u32 $0xD0000000, s2;
	s6 =	simm.s32 $0x108;
	_ =	swait.ge @!p0 [sflag:s8], $0x0  }
0x24: {  	s3 =	sadd.s32 $0x88, s3;
	s6 =	simm.s32 @!p1 $0x1082;
	[sflag:s4] =	ssyncset.s32 $0xFFFFF086  }
0x25: {  	[simem:s6], [sflag:s4] =	dma.local [hbm:s3], $0xF7A  }
0x26: {  	[smem:$0x3F9F] =	sst s1;
	(tag) =	ssettag s2;
	_ =	strace s9  }
0x27: {  	s1 =	sld [smem:$0x3FAF]  }
0x28: {  	s2 =	sld [smem:$0x3FB0]  }
0x29: {  	s4 =	sld [smem:$0x3FB2]  }
0x2a: {  	p0 =	seq.s32 s5, $0x0;
	s5 =	sld [smem:$0x3FB3]  }
0x2b: {  	s6 =	sld [smem:$0x3FB4]  }
0x2c: {  	s7 =	sld [smem:$0x3FB5]  }
0x2d: {  	s3 =	simm.s32 $0x108;
	s8 =	sld [smem:$0x3FB6]  }
0x2e: {  	s3 =	simm.s32 @!p0 $0x1082;
	s9 =	sld [smem:$0x3FB7]  }
0x2f: {  	lr =	sadd.s32 s0, s3;
	s0 =	sld [smem:$0x3FAE]  }
0x30: {  	s3 =	sld [smem:$0x3FB1]  }
0x31: {  	[smem:$0x3FBA] =	sst s10  }
0x32: {  	s10 =	sld [smem:$0x3FB8];
	_ =	sdelay $0x3  }
0x33: {  	p0 =	seq.s32 s10, $0x1;
	s10 =	sld [smem:$0x3FBA];
	_ =	sdelay $0x3  }
0x34: {  	[smem:$0x3FBA] =	sst s10  }
0x35: {  	s10 =	sld [smem:$0x3FB9];
	_ =	sdelay $0x3  }
0x36: {  	p1 =	seq.s32 s10, $0x1;
	s10 =	sld [smem:$0x3FBA];
	_ =	sdelay $0x3  }
0x37: {  	[smem:$0x3FBA] =	sst s10  }
0x38: {  	s10 =	sld [smem:$0x3FBB]  }
0x39: {  	_ = 	snop;
	(pc) =	sbr.ind lr, $3  }
0x3a: {  	_ = 	snop  }
0x3b: {  	_ = 	snop  }
0x3c: {  	p2 =	seq.s32 s10, $0x1;
	s10 =	sld [smem:$0x3FBA]  }
0x3d: {  	_ =	shalt  }
0x3e: {  	_ =	shalt  }
0x3f: {  	_ =	shalt  }
0x40: {  	_ =	shalt  }
0x41: {  	_ =	shalt  }
0x42: {  	_ =	shalt  }
0x43: {  	_ =	shalt  }
0x44: {  	_ =	shalt  }
0x45: {  	_ =	shalt  }
0x46: {  	_ =	shalt  }
0x47: {  	_ =	shalt  }
0x48: {  	_ =	shalt  }
0x49: {  	_ =	shalt  }
0x4a: {  	_ =	shalt  }
0x4b: {  	_ =	shalt  }
0x4c: {  	_ =	shalt  }
0x4d: {  	_ =	shalt  }
0x4e: {  	_ =	shalt  }
0x4f: {  	_ =	shalt  }
0x50: {  	_ =	shalt  }
0x51: {  	_ =	shalt  }
0x52: {  	_ =	shalt  }
0x53: {  	_ =	shalt  }
0x54: {  	_ =	shalt  }
0x55: {  	_ =	shalt  }
0x56: {  	_ =	shalt  }
0x57: {  	_ =	shalt  }
0x58: {  	_ =	shalt  }
0x59: {  	_ =	shalt  }
0x5a: {  	_ =	shalt  }
0x5b: {  	_ =	shalt  }
0x5c: {  	_ =	shalt  }
0x5d: {  	_ =	shalt  }
0x5e: {  	_ =	shalt  }
0x5f: {  	_ =	shalt  }
0x60: {  	_ =	shalt  }
0x61: {  	_ =	shalt  }
0x62: {  	_ =	shalt  }
0x63: {  	_ =	shalt  }
0x64: {  	_ =	shalt  }
0x65: {  	_ =	shalt  }
0x66: {  	_ =	shalt  }
0x67: {  	_ =	shalt  }
0x68: {  	_ =	shalt  }
0x69: {  	_ =	shalt  }
0x6a: {  	_ =	shalt  }
0x6b: {  	_ =	shalt  }
0x6c: {  	_ =	shalt  }
0x6d: {  	_ =	shalt  }
0x6e: {  	_ =	shalt  }
0x6f: {  	_ =	shalt  }
0x70: {  	_ =	shalt  }
0x71: {  	_ =	shalt  }
0x72: {  	_ =	shalt  }
0x73: {  	_ =	shalt  }
0x74: {  	_ =	shalt  }
0x75: {  	_ =	shalt  }
0x76: {  	_ =	shalt  }
0x77: {  	_ =	shalt  }
0x78: {  	_ =	shalt  }
0x79: {  	_ =	shalt  }
0x7a: {  	_ =	shalt  }
0x7b: {  	_ =	shalt  }
0x7c: {  	_ =	shalt  }
0x7d: {  	_ =	shalt  }
0x7e: {  	_ =	shalt  }
0x7f: {  	_ =	shalt  }
0x80: {  	_ =	shalt  }
0x81: {  	_ =	shalt  }
0x82: {  	_ =	shalt  }
0x83: {  	_ =	shalt  }
0x84: {  	_ =	shalt  }
0x85: {  	_ =	shalt  }
0x86: {  	_ =	shalt  }
0x87: {  	_ =	shalt  }
.Lfunc_end0:
.L_simem_size_0:
called_computation_lowered:
.L_overlay_start_0:
0x88: {  	s2 =	sld [smem:$0x3FD9]  }
0x89: {  	s3 =	sld [smem:$0x3FFE];
	_ =	sdelay $0x1  }
0x8a: {  	s1 =	srdreg.scid  }
0x8b: {  	s0 =	sand.u32 $0x1, s1  }
0x8c: {  	s17 =	sshll.u32 s0, $0xA;
	s2 =	sadd.s32 s3, s2  }
0x8d: {  	s2 =	sadd.s32 s2, s17  }
0x8e: {  	[smem:$0x3FC6] =	sst s2  }
0x8f: {  	_ = 	snop  }
0x90: {  	s2 =	sld [smem:$0x3FD0];
	(tm) =	ssettm $0x1  }
0x91: {  	s18 =	sld [smem:$0x3FFB];
	_ =	sdelay $0x3  }
0x92: {  	_ =	strace s18  }
0x93: {  	s3 =	sld [smem:$0x3FFC];
	_ =	sdelay $0x3  }
0x94: {  	_ =	strace s3  }
0x95: {  	s3 =	sld [smem:$0x3FFD];
	_ =	sdelay $0x3  }
0x96: {  	_ =	strace s3  }
0x97: {  	_ =	strace $0x8FFFFFFF  }
0x98: {  	s19 =	sld [smem:$0x3FDB];
	_ =	sdelay $0x1  }
0x99: {  	s4 =	simm.s32 $_scs_section_size  }
0x9a: {  	s5 =	simm.s32 $_size__tile_overlayer_lowered;
	s6 =	simm.s32 $_tile_overlayer_lowered  }
0x9b: {  	s22 =	simm.s32 $0x1BFF;
	s21 =	sshll.u32 s6, $0x1;
	s3 =	sadd.s32 s4, s19  }
0x9c: {  	s7 =	simm.s32 $0x0;
	s20 =	sshll.u32 s5, $0x1;
	s5 =	sadd.s32 s21, s3  }
0x9d: {  	[timem:s7], [sflag:s22] =	dma.local [hbm:s5], s20  }
0x9e: {  	_ =	swait.ge [sflag:s22], s20  }
0x9f: {  	s4 =	ssub.s32 $0x0, s20;
	[sflag:s22] =	ssyncset.done $0x0  }
0xa0: {  	[sflag:s22] =	ssyncadd.s32 s4;
	_ =	sdelay $0x1  }
0xa1: {  	s23 =	simm.s32 $0x1B8B  }
0xa2: {  	_ =	swait.ge [sflag:s23], $0x1  }
0xa3: {  	[sflag:s23] =	ssyncset.done $0x0  }
0xa4: {  	s25 =	simm.s32 $0x1B8E;
	s24 =	sld [smem:$0x3FFE];
	[sflag:s23] =	ssyncadd.s32 $0xFFFFFFFF  }
0xa5: {  	s26 =	simm.s32 $execute0_lowered;
	[smem:$0x3FD2] =	sst s25  }
0xa6: {  	s5 =	sshll.u32 s26, $0x1;
	_ =	strace $0x80000046;
	[dreg:$0x1] =	wrdreg $0xFFFFFFFF  }
0xa7: {  	s28 =	simm.s32 $_size_execute0_lowered;
	s3 =	sadd.s32 s3, s5;
	[dreg:$0x0] =	wrdreg $0x0  }
0xa8: {  	s5 =	sshll.u32 s28, $0x1;
	[dreg:$0x2] =	wrdreg s3  }
0xa9: {  	[dreg:$0x3] =	wrdreg s5  }
0xaa: {  	[dreg:$0x4] =	wrdreg $0xC0  }
0xab: {  	_ =	task [dreg:s7], $0x5FFFF  }
0xac: {  	[dreg:$0x1] =	wrdreg $0xFFFFFFFF  }
0xad: {  	[dreg:$0x0] =	wrdreg $0x60  }
0xae: {  	[dreg:$0x2] =	wrdreg s24  }
0xaf: {  	[dreg:$0x3] =	wrdreg s2  }
0xb0: {  	[dreg:$0x4] =	wrdreg $0x0  }
0xb1: {  	[dreg:$0x5] =	wrdreg $0x9  }
0xb2: {  	_ =	task.clear_ibuf [dreg:s7], $0x6FFFF;
	_ =	strace $0x90000046  }
0xb3: {  	s29 =	simm.s32 $0x9;
	_ =	strace $0x80000048  }
0xb4: {  	_ =	swait.ge [sflag:s29], $0x1  }
0xb5: {  	[sflag:s29] =	ssyncadd.s32 $0xFFFFFFFF  }
0xb6: {  	_ =	strace $0x90000048  }
0xb7: {  	_ =	sfence  }
0xb8: {  	s30 =	sld [smem:$0x0];
	_ =	sdelay $0x2  }
0xb9: {  	s31 =	sshll.u32 s1, $0xD;
	s1 =	sshrl.u32 s1, $0x2  }
0xba: {  	s3 =	sand.u32 $0x4000, s31;
	s1 =	sadd.s32 s1, s30  }
0xbb: {  	s0 =	sor.u32 s3, s0;
	s1 =	sshll.u32 s1, $0x11  }
0xbc: {  	s0 =	sor.u32 s1, s0  }
0xbd: {  	s0 =	sadd.s32 $0x8F2B, s0  }
0xbe: {  	[sflag:s0] =	ssyncadd.remote.s32 $0x1  }
0xbf: {  	_ =	sfence.sel $0xFFFF  }
0xc0: {  	[dreg:$0x0] =	wrdreg $0xFFFFFFFF;
	(pc) =	sbr.abs _section_cstart, $3  }
0xc1: {  	[dreg:$0x1] =	wrdreg $0xFFFFFFFF  }
0xc2: {  	_ =	task.clear_ibuf [dreg:s7], $0x2FFFF;
	_ =	strace $0x9FFFFFFF  }
0xc3: {  	(tm) =	ssettm $0x7FFFFFFF  }
tec
execute0_lowered:
.L_overlay_start_1:
0x0: {  	(tag) =	ssettag $0x1  }
0x1: {  	s1 =	rddreg [dreg:$0x0];
	s0 =	srdreg.scid  }
0x2: {  	s9 =	stileid.u32;
	s2 =	rddreg [dreg:$0x1]  }
0x3: {  	s3 =	rddreg [dreg:$0x2];
	s6 =	simm.s32 $0x0;
	s15 =	simm.s32 $0xEC40  }
0x4: {  	s16 =	simm.s32 $0x13C40;
	s17 =	simm.s32 $0xD;
	s18 =	simm.s32 $0x1  }
0x5: {  	s19 =	simm.s32 $0x2;
	s20 =	simm.s32 $0x7D;
	s4 =	smul.u32 $0x5000, s9  }
0x6: {  	s29 =	simm.s32 $0x1B940;
	s31 =	simm.s32 $0x1D880;
	s7 =	smul.u32 $0x27100, s9  }
0x7: {  	s28 =	simm.s32 $0x5;
	s0 =	sand.u32 $0x1, s0;
	s23 =	smul.u32 $0x13880, s9  }
0x8: {  	s30 =	simm.s32 $0x8;
	[smem:$0x7FF] =	sst s6;
	s5 =	smul.u32 $0x50000, s0  }
0x9: {  	_ =	strace $0x80000047;
	s21 =	ssub.s32 $0x2, s0;
	s0 =	sshll.u32 s0, $0x6  }
0xa: {  	s8 =	sshrl.u32 s21, $0x1;
	s22 =	sshrl.u32 s7, $0x2;
	s0 =	sor.u32 s0, s23  }
0xb: {  	s23 =	simm.s32 $0x9;
	s7 =	simm.s32 $0xC;
	s5 =	sadd.s32 s4, s5  }
0xc: {  	s4 =	sshrl.u32 s4, $0x3;
	s8 =	ssub.s32 s21, s8;
	s6 =	sadd.s32 s22, s3  }
0xd: {  	s0 =	sshrl.u32 s0, $0x3;
	s22 =	simm.s32 $0x15B80;
	s21 =	simm.s32 $0x3  }
0xe: {  	s5 =	sshrl.u32 s5, $0x3;
	s4 =	sadd.s32 s4, s1;
	s24 =	sadd.s32 $0x1F40, s6  }
0xf: {  	s25 =	sadd.s32 $0x3E80, s6;
	s26 =	sadd.s32 $0x5DC0, s6;
	s11 =	sadd.s32 $0x7D00, s6  }
0x10: {  	s12 =	sadd.s32 s2, s0;
	s13 =	smax.u32 s8, $0x1;
	s0 =	simm.s32 $0x4  }
0x11: {  	s2 =	simm.s32 $0x6;
	s8 =	simm.s32 $0x0;
	[dreg:$0x6] =	wrdreg s24  }
0x12: {  	s5 =	sadd.s32 s5, s1;
	s4 =	sadd.s32 $0x3B200, s4;
	[dreg:$0x7] =	wrdreg s25  }
0x13: {  	[dreg:$0x8] =	wrdreg s26;
	s24 =	simm.s32 $0x17AC0;
	s26 =	simm.s32 $0x19A00  }
0x14: {  	s25 =	simm.s32 $0x7;
	s5 =	sadd.s32 $0x27200, s5;
	[dreg:$0x5] =	wrdreg s4  }
0x15: {  	v0 =	vimm.f32 $0.0e+00;
	s4 =	simm.s32 $0xA;
	[dreg:$0x4] =	wrdreg s5;
	s5 =	simm.s32 $0xB  }
.LBB2_1:
0x16: {  	s9 =	simm.s32 $0x0;
	s10 =	rddreg [dreg:$0x4];
	s14 =	simm.s32 $0x9C40  }
0x17: {  	[tilespmem:s14], [sflag:$0x1] =	stream.linear.gather [hbm4b:s10+s9], $0x5000, $0x38;
	[tilespmem:$0x1F7C0] =	vst v63  }
0x18: {  	s14 =	rddreg [dreg:$0x5]  }
0x19: {  	[tilespmem:s15], [sflag:$0x2] =	stream.linear.gather [hbm4b:s14+s9], $0x5000, $0x38;
	[tilespmem:$0x1F7C0] =	vst v63  }
0x1a: {  	s14 =	simm.s32 $0x100;
	s9 =	simm.s32 $0x0  }
.LBB2_2:
0x1b: {  	p0 =	sne.s32 s14, $0x7C00;
	[tilespmem:s9+$0x13C70] =	vst v0;
	s10 =	smov.u32 s14;
	s14 =	sadd.s32 $0x100, s14  }
.Ltmp0:
0x1c: {  	[tilespmem:s9+$0x13C60] =	vst v0;
	(pc) =	sbr.rel @p0 .LBB2_2-.Ltmp0, $3  }
0x1d: {  	[tilespmem:s9+$0x13C40] =	vst v0  }
0x1e: {  	[tilespmem:s9+$0x13C50] =	vst v0;
	_ =	sdelay $0x1  }
0x1f: {  	s9 =	sshra.s32 s10, $0x2  }
0x20: {  	[tilespmem:s9+$0x13C70] =	vst v0  }
0x21: {  	[tilespmem:s9+$0x13C60] =	vst v0  }
0x22: {  	[tilespmem:s9+$0x13C40] =	vst v0  }
0x23: {  	[tilespmem:s9+$0x13C50] =	vst v0  }
0x24: {  	[spmem:s6] =	stream.linear.scatter [tilespmem:s16], [sflag:$0xD], $0x1F40, $0x38;
	[tilespmem:$0x1F7C0] =	vst v63  }
0x25: {  	_ =	swait.ge [sflag:s17], $0x1F40  }
0x26: {  	[sflag:s17] =	ssyncset.done $0x0  }
0x27: {  	s10 =	rddreg [dreg:$0x6];
	[sflag:s17] =	ssyncadd.s32 $0xFFFFE0C0  }
0x28: {  	[spmem:s10] =	stream.linear.scatter [tilespmem:s16], [sflag:$0xD], $0x1F40, $0x38;
	[tilespmem:$0x1F7C0] =	vst v63  }
0x29: {  	_ =	swait.ge [sflag:s17], $0x1F40  }
0x2a: {  	[sflag:s17] =	ssyncset.done $0x0  }
0x2b: {  	s14 =	rddreg [dreg:$0x7];
	[sflag:s17] =	ssyncadd.s32 $0xFFFFE0C0  }
0x2c: {  	[spmem:s14] =	stream.linear.scatter [tilespmem:s16], [sflag:$0xD], $0x1F40, $0x38;
	[tilespmem:$0x1F7C0] =	vst v63  }
0x2d: {  	_ =	swait.ge [sflag:s17], $0x1F40  }
0x2e: {  	[sflag:s17] =	ssyncset.done $0x0  }
0x2f: {  	s10 =	rddreg [dreg:$0x8];
	[sflag:s17] =	ssyncadd.s32 $0xFFFFE0C0  }
0x30: {  	[spmem:s10] =	stream.linear.scatter [tilespmem:s16], [sflag:$0xD], $0x1F40, $0x38;
	[tilespmem:$0x1F7C0] =	vst v63  }
0x31: {  	_ =	swait.ge [sflag:s17], $0x1F40  }
0x32: {  	[sflag:s17] =	ssyncset.done $0x0  }
0x33: {  	[sflag:s17] =	ssyncadd.s32 $0xFFFFE0C0  }
0x34: {  	[spmem:s11] =	stream.linear.scatter [tilespmem:s16], [sflag:$0xD], $0x1F40, $0x38;
	[tilespmem:$0x1F7C0] =	vst v63  }
0x35: {  	_ =	swait.ge [sflag:s17], $0x1F40  }
0x36: {  	[sflag:s17] =	ssyncset.done $0x0  }
0x37: {  	[sflag:s17] =	ssyncadd.s32 $0xFFFFE0C0  }
0x38: {  	_ =	swait.ge [sflag:s18], $0x5000  }
0x39: {  	[sflag:s18] =	ssyncset.done $0x0  }
0x3a: {  	[sflag:s18] =	ssyncadd.s32 $0xFFFFB000  }
0x3b: {  	_ =	swait.ge [sflag:s19], $0x5000  }
0x3c: {  	[sflag:s19] =	ssyncset.done $0x0  }
0x3d: {  	s14 =	simm.s32 $0x9C40;
	[sflag:s19] =	ssyncadd.s32 $0xFFFFB000  }
0x3e: {  	[tilespmem:s16], [sflag:$0x1] =	stream.indirect.gather [hbm4b:s1+s20], $0x40, s14, s20, $0xb8;
	[tilespmem:$0x1F7C0] =	vst v63  }
0x3f: {  	s10 =	simm.s32 $0x9CC0  }
0x40: {  	[tilespmem:s22], [sflag:$0x2] =	stream.indirect.gather [hbm4b:s1+s20], $0x40, s10, s20, $0xb8;
	[tilespmem:$0x1F7C0] =	vst v63  }
0x41: {  	s14 =	simm.s32 $0x9D40  }
0x42: {  	[tilespmem:s24], [sflag:$0x3] =	stream.indirect.gather [hbm4b:s1+s20], $0x40, s14, s20, $0xb8;
	[tilespmem:$0x1F7C0] =	vst v63  }
0x43: {  	s10 =	simm.s32 $0x9DC0  }
0x44: {  	[tilespmem:s26], [sflag:$0x4] =	stream.indirect.gather [hbm4b:s1+s20], $0x40, s10, s20, $0xb8;
	[tilespmem:$0x1F7C0] =	vst v63  }
0x45: {  	s14 =	simm.s32 $0x9E40  }
0x46: {  	[tilespmem:s29], [sflag:$0x5] =	stream.indirect.gather [hbm4b:s1+s20], $0x40, s14, s20, $0xb8;
	[tilespmem:$0x1F7C0] =	vst v63  }
0x47: {  	s10 =	simm.s32 $0x9EC0  }
0x48: {  	[tilespmem:s31], [sflag:$0x6] =	stream.indirect.gather [hbm4b:s1+s20], $0x40, s10, s20, $0xb8;
	[tilespmem:$0x1F7C0] =	vst v63  }
0x49: {  	[bflag:$0x0] =	sbarrier.arrive $0xFFFF  }
0x4a: {  	_ =	swait.ge [sflag:s18], $0x1F40  }
0x4b: {  	[sflag:s18] =	ssyncset.done $0x0  }
0x4c: {  	[sflag:s18] =	ssyncadd.s32 $0xFFFFE0C0  }
0x4d: {  	[spmem:s3] =	stream.indirect.scatter.add.f32 [tilespmem:s16], [sflag:$0x7], $0x40, s15, s20, $0xb8;
	[tilespmem:$0x1F7C0] =	vst v63  }
0x4e: {  	_ =	swait.ge [sflag:s19], $0x1F40  }
0x4f: {  	[sflag:s19] =	ssyncset.done $0x0  }
0x50: {  	s14 =	simm.s32 $0xECC0;
	[sflag:s19] =	ssyncadd.s32 $0xFFFFE0C0  }
0x51: {  	[spmem:s3] =	stream.indirect.scatter.add.f32 [tilespmem:s22], [sflag:$0x8], $0x40, s14, s20, $0xb8;
	[tilespmem:$0x1F7C0] =	vst v63  }
0x52: {  	_ =	swait.ge [sflag:s21], $0x1F40  }
0x53: {  	[sflag:s21] =	ssyncset.done $0x0  }
0x54: {  	s10 =	simm.s32 $0xED40;
	[sflag:s21] =	ssyncadd.s32 $0xFFFFE0C0  }
0x55: {  	[spmem:s3] =	stream.indirect.scatter.add.f32 [tilespmem:s24], [sflag:$0x9], $0x40, s10, s20, $0xb8;
	[tilespmem:$0x1F7C0] =	vst v63  }
0x56: {  	_ =	swait.ge [sflag:s0], $0x1F40  }
0x57: {  	[sflag:s0] =	ssyncset.done $0x0  }
0x58: {  	s14 =	simm.s32 $0xEDC0;
	[sflag:s0] =	ssyncadd.s32 $0xFFFFE0C0  }
0x59: {  	[spmem:s3] =	stream.indirect.scatter.add.f32 [tilespmem:s26], [sflag:$0xA], $0x40, s14, s20, $0xb8;
	[tilespmem:$0x1F7C0] =	vst v63  }
0x5a: {  	_ =	swait.ge [sflag:s25], $0x1F40  }
0x5b: {  	[sflag:s25] =	ssyncset.done $0x0  }
0x5c: {  	s10 =	simm.s32 $0x9F40;
	[sflag:s25] =	ssyncadd.s32 $0xFFFFE0C0  }
0x5d: {  	[tilespmem:s16], [sflag:$0x1] =	stream.indirect.gather [hbm4b:s1+s20], $0x40, s10, s20, $0xb8;
	[tilespmem:$0x1F7C0] =	vst v63  }
0x5e: {  	_ =	swait.ge [sflag:s28], $0x1F40  }
0x5f: {  	[sflag:s28] =	ssyncset.done $0x0  }
0x60: {  	s14 =	simm.s32 $0xEE40;
	[sflag:s28] =	ssyncadd.s32 $0xFFFFE0C0  }
0x61: {  	[spmem:s3] =	stream.indirect.scatter.add.f32 [tilespmem:s29], [sflag:$0xB], $0x40, s14, s20, $0xb8;
	[tilespmem:$0x1F7C0] =	vst v63  }
0x62: {  	_ =	swait.ge [sflag:s30], $0x1F40  }
0x63: {  	[sflag:s30] =	ssyncset.done $0x0  }
0x64: {  	s10 =	simm.s32 $0x9FC0;
	[sflag:s30] =	ssyncadd.s32 $0xFFFFE0C0  }
0x65: {  	[tilespmem:s22], [sflag:$0x2] =	stream.indirect.gather [hbm4b:s1+s20], $0x40, s10, s20, $0xb8;
	[tilespmem:$0x1F7C0] =	vst v63  }
0x66: {  	_ =	swait.ge [sflag:s2], $0x1F40  }
0x67: {  	[sflag:s2] =	ssyncset.done $0x0  }
0x68: {  	s14 =	simm.s32 $0xEEC0;
	[sflag:s2] =	ssyncadd.s32 $0xFFFFE0C0  }
0x69: {  	[spmem:s3] =	stream.indirect.scatter.add.f32 [tilespmem:s31], [sflag:$0xC], $0x40, s14, s20, $0xb8;
	[tilespmem:$0x1F7C0] =	vst v63  }
0x6a: {  	_ =	swait.ge [sflag:s23], $0x1F40  }
0x6b: {  	[sflag:s23] =	ssyncset.done $0x0  }
0x6c: {  	s10 =	simm.s32 $0xA040;
	[sflag:s23] =	ssyncadd.s32 $0xFFFFE0C0  }
0x6d: {  	[tilespmem:s24], [sflag:$0x3] =	stream.indirect.gather [hbm4b:s1+s20], $0x40, s10, s20, $0xb8;
	[tilespmem:$0x1F7C0] =	vst v63  }
0x6e: {  	_ =	swait.ge [sflag:s18], $0x1F40  }
0x6f: {  	[sflag:s18] =	ssyncset.done $0x0  }
0x70: {  	s14 =	simm.s32 $0xEF40;
	[sflag:s18] =	ssyncadd.s32 $0xFFFFE0C0  }
0x71: {  	[spmem:s3] =	stream.indirect.scatter.add.f32 [tilespmem:s16], [sflag:$0x7], $0x40, s14, s20, $0xb8;
	[tilespmem:$0x1F7C0] =	vst v63  }
0x72: {  	_ =	swait.ge [sflag:s4], $0x1F40  }
0x73: {  	[sflag:s4] =	ssyncset.done $0x0  }
0x74: {  	s10 =	simm.s32 $0xA0C0;
	[sflag:s4] =	ssyncadd.s32 $0xFFFFE0C0  }
0x75: {  	[tilespmem:s26], [sflag:$0x4] =	stream.indirect.gather [hbm4b:s1+s20], $0x40, s10, s20, $0xb8;
	[tilespmem:$0x1F7C0] =	vst v63  }
0x76: {  	_ =	swait.ge [sflag:s19], $0x1F40  }
0x77: {  	[sflag:s19] =	ssyncset.done $0x0  }
0x78: {  	s14 =	simm.s32 $0xEFC0;
	[sflag:s19] =	ssyncadd.s32 $0xFFFFE0C0  }
0x79: {  	[spmem:s3] =	stream.indirect.scatter.add.f32 [tilespmem:s22], [sflag:$0x8], $0x40, s14, s20, $0xb8;
	[tilespmem:$0x1F7C0] =	vst v63  }
0x7a: {  	_ =	swait.ge [sflag:s5], $0x1F40  }
0x7b: {  	[sflag:s5] =	ssyncset.done $0x0  }
0x7c: {  	s10 =	simm.s32 $0xA140;
	[sflag:s5] =	ssyncadd.s32 $0xFFFFE0C0  }
0x7d: {  	[tilespmem:s29], [sflag:$0x5] =	stream.indirect.gather [hbm4b:s1+s20], $0x40, s10, s20, $0xb8;
	[tilespmem:$0x1F7C0] =	vst v63  }
0x7e: {  	_ =	swait.ge [sflag:s21], $0x1F40  }
0x7f: {  	[sflag:s21] =	ssyncset.done $0x0  }
0x80: {  	s14 =	simm.s32 $0xF040;
	[sflag:s21] =	ssyncadd.s32 $0xFFFFE0C0  }
0x81: {  	[spmem:s3] =	stream.indirect.scatter.add.f32 [tilespmem:s24], [sflag:$0x9], $0x40, s14, s20, $0xb8;
	[tilespmem:$0x1F7C0] =	vst v63  }
0x82: {  	_ =	swait.ge [sflag:s7], $0x1F40  }
0x83: {  	[sflag:s7] =	ssyncset.done $0x0  }
0x84: {  	s9 =	simm.s32 $0xA1C0;
	s14 =	simm.s32 $0xC00;
	[sflag:s7] =	ssyncadd.s32 $0xFFFFE0C0  }
.LBB2_4:
0x85: {  	[tilespmem:s31], [sflag:$0x6] =	stream.indirect.gather [hbm4b:s1+s20], $0x40, s9, s20, $0xb8;
	[tilespmem:$0x1F7C0] =	vst v63  }
0x86: {  	s9 =	smov.u32 s14  }
0x87: {  	p0 =	sne.s32 s14, $0x12000;
	s14 =	sadd.s32 $0xC00, s14;
	_ =	swait.ge [sflag:s0], $0x1F40  }
0x88: {  	s9 =	sshra.s32 s9, $0x2;
	[sflag:s0] =	ssyncset.done $0x0  }
0x89: {  	s10 =	sadd.s32 $0xEDC0, s9;
	[sflag:s0] =	ssyncadd.s32 $0xFFFFE0C0  }
0x8a: {  	[spmem:s3] =	stream.indirect.scatter.add.f32 [tilespmem:s26], [sflag:$0xA], $0x40, s10, s20, $0xb8;
	[tilespmem:$0x1F7C0] =	vst v63  }
0x8b: {  	_ =	swait.ge [sflag:s25], $0x1F40  }
0x8c: {  	[sflag:s25] =	ssyncset.done $0x0  }
0x8d: {  	s10 =	sadd.s32 $0x9F40, s9;
	[sflag:s25] =	ssyncadd.s32 $0xFFFFE0C0  }
0x8e: {  	[tilespmem:s16], [sflag:$0x1] =	stream.indirect.gather [hbm4b:s1+s20], $0x40, s10, s20, $0xb8;
	[tilespmem:$0x1F7C0] =	vst v63  }
0x8f: {  	_ =	swait.ge [sflag:s28], $0x1F40  }
0x90: {  	[sflag:s28] =	ssyncset.done $0x0  }
0x91: {  	s10 =	sadd.s32 $0xEE40, s9;
	[sflag:s28] =	ssyncadd.s32 $0xFFFFE0C0  }
0x92: {  	[spmem:s3] =	stream.indirect.scatter.add.f32 [tilespmem:s29], [sflag:$0xB], $0x40, s10, s20, $0xb8;
	[tilespmem:$0x1F7C0] =	vst v63  }
0x93: {  	_ =	swait.ge [sflag:s30], $0x1F40  }
0x94: {  	[sflag:s30] =	ssyncset.done $0x0  }
0x95: {  	s10 =	sadd.s32 $0x9FC0, s9;
	[sflag:s30] =	ssyncadd.s32 $0xFFFFE0C0  }
0x96: {  	[tilespmem:s22], [sflag:$0x2] =	stream.indirect.gather [hbm4b:s1+s20], $0x40, s10, s20, $0xb8;
	[tilespmem:$0x1F7C0] =	vst v63  }
0x97: {  	_ =	swait.ge [sflag:s2], $0x1F40  }
0x98: {  	[sflag:s2] =	ssyncset.done $0x0  }
0x99: {  	s10 =	sadd.s32 $0xEEC0, s9;
	[sflag:s2] =	ssyncadd.s32 $0xFFFFE0C0  }
0x9a: {  	[spmem:s3] =	stream.indirect.scatter.add.f32 [tilespmem:s31], [sflag:$0xC], $0x40, s10, s20, $0xb8;
	[tilespmem:$0x1F7C0] =	vst v63  }
0x9b: {  	_ =	swait.ge [sflag:s23], $0x1F40  }
0x9c: {  	[sflag:s23] =	ssyncset.done $0x0  }
0x9d: {  	s10 =	sadd.s32 $0xA040, s9;
	[sflag:s23] =	ssyncadd.s32 $0xFFFFE0C0  }
0x9e: {  	[tilespmem:s24], [sflag:$0x3] =	stream.indirect.gather [hbm4b:s1+s20], $0x40, s10, s20, $0xb8;
	[tilespmem:$0x1F7C0] =	vst v63  }
0x9f: {  	_ =	swait.ge [sflag:s18], $0x1F40  }
0xa0: {  	[sflag:s18] =	ssyncset.done $0x0  }
0xa1: {  	s10 =	sadd.s32 $0xEF40, s9;
	[sflag:s18] =	ssyncadd.s32 $0xFFFFE0C0  }
0xa2: {  	[spmem:s3] =	stream.indirect.scatter.add.f32 [tilespmem:s16], [sflag:$0x7], $0x40, s10, s20, $0xb8;
	[tilespmem:$0x1F7C0] =	vst v63  }
0xa3: {  	_ =	swait.ge [sflag:s4], $0x1F40  }
0xa4: {  	[sflag:s4] =	ssyncset.done $0x0  }
0xa5: {  	s10 =	sadd.s32 $0xA0C0, s9;
	[sflag:s4] =	ssyncadd.s32 $0xFFFFE0C0  }
0xa6: {  	[tilespmem:s26], [sflag:$0x4] =	stream.indirect.gather [hbm4b:s1+s20], $0x40, s10, s20, $0xb8;
	[tilespmem:$0x1F7C0] =	vst v63  }
0xa7: {  	_ =	swait.ge [sflag:s19], $0x1F40  }
0xa8: {  	[sflag:s19] =	ssyncset.done $0x0  }
0xa9: {  	s10 =	sadd.s32 $0xEFC0, s9;
	[sflag:s19] =	ssyncadd.s32 $0xFFFFE0C0  }
0xaa: {  	[spmem:s3] =	stream.indirect.scatter.add.f32 [tilespmem:s22], [sflag:$0x8], $0x40, s10, s20, $0xb8;
	[tilespmem:$0x1F7C0] =	vst v63  }
0xab: {  	_ =	swait.ge [sflag:s5], $0x1F40  }
0xac: {  	[sflag:s5] =	ssyncset.done $0x0  }
0xad: {  	s10 =	sadd.s32 $0xA140, s9;
	[sflag:s5] =	ssyncadd.s32 $0xFFFFE0C0  }
0xae: {  	[tilespmem:s29], [sflag:$0x5] =	stream.indirect.gather [hbm4b:s1+s20], $0x40, s10, s20, $0xb8;
	[tilespmem:$0x1F7C0] =	vst v63  }
0xaf: {  	_ =	swait.ge [sflag:s21], $0x1F40  }
0xb0: {  	[sflag:s21] =	ssyncset.done $0x0  }
.Ltmp1:
0xb1: {  	s10 =	sadd.s32 $0xF040, s9;
	[sflag:s21] =	ssyncadd.s32 $0xFFFFE0C0;
	(pc) =	sbr.rel @p0 .LBB2_4-.Ltmp1, $4  }
0xb2: {  	[spmem:s3] =	stream.indirect.scatter.add.f32 [tilespmem:s24], [sflag:$0x9], $0x40, s10, s20, $0xb8;
	[tilespmem:$0x1F7C0] =	vst v63  }
0xb3: {  	_ =	swait.ge [sflag:s7], $0x1F40  }
0xb4: {  	[sflag:s7] =	ssyncset.done $0x0  }
0xb5: {  	s9 =	sadd.s32 $0xA1C0, s9;
	[sflag:s7] =	ssyncadd.s32 $0xFFFFE0C0  }
0xb6: {  	[tilespmem:s31], [sflag:$0x6] =	stream.indirect.gather [hbm4b:s1+s20], $0x40, s9, s20, $0xb8;
	[tilespmem:$0x1F7C0] =	vst v63  }
0xb7: {  	_ =	swait.ge [sflag:s0], $0x1F40  }
0xb8: {  	[sflag:s0] =	ssyncset.done $0x0  }
0xb9: {  	s10 =	simm.s32 $0x138C0;
	[sflag:s0] =	ssyncadd.s32 $0xFFFFE0C0  }
0xba: {  	[spmem:s3] =	stream.indirect.scatter.add.f32 [tilespmem:s26], [sflag:$0xA], $0x40, s10, s20, $0xb8;
	[tilespmem:$0x1F7C0] =	vst v63  }
0xbb: {  	_ =	swait.ge [sflag:s25], $0x1F40  }
0xbc: {  	[sflag:s25] =	ssyncset.done $0x0  }
0xbd: {  	s14 =	simm.s32 $0xEA40;
	[sflag:s25] =	ssyncadd.s32 $0xFFFFE0C0  }
0xbe: {  	[tilespmem:s16], [sflag:$0x1] =	stream.indirect.gather [hbm4b:s1+s20], $0x40, s14, s20, $0xb8;
	[tilespmem:$0x1F7C0] =	vst v63  }
0xbf: {  	_ =	swait.ge [sflag:s28], $0x1F40  }
0xc0: {  	[sflag:s28] =	ssyncset.done $0x0  }
0xc1: {  	s10 =	simm.s32 $0x13940;
	[sflag:s28] =	ssyncadd.s32 $0xFFFFE0C0  }
0xc2: {  	[spmem:s3] =	stream.indirect.scatter.add.f32 [tilespmem:s29], [sflag:$0xB], $0x40, s10, s20, $0xb8;
	[tilespmem:$0x1F7C0] =	vst v63  }
0xc3: {  	_ =	swait.ge [sflag:s30], $0x1F40  }
0xc4: {  	[sflag:s30] =	ssyncset.done $0x0  }
0xc5: {  	s14 =	simm.s32 $0xEAC0;
	[sflag:s30] =	ssyncadd.s32 $0xFFFFE0C0  }
0xc6: {  	[tilespmem:s22], [sflag:$0x2] =	stream.indirect.gather [hbm4b:s1+s20], $0x40, s14, s20, $0xb8;
	[tilespmem:$0x1F7C0] =	vst v63  }
0xc7: {  	_ =	swait.ge [sflag:s2], $0x1F40  }
0xc8: {  	[sflag:s2] =	ssyncset.done $0x0  }
0xc9: {  	s10 =	simm.s32 $0x139C0;
	[sflag:s2] =	ssyncadd.s32 $0xFFFFE0C0  }
0xca: {  	[spmem:s3] =	stream.indirect.scatter.add.f32 [tilespmem:s31], [sflag:$0xC], $0x40, s10, s20, $0xb8;
	[tilespmem:$0x1F7C0] =	vst v63  }
0xcb: {  	_ =	swait.ge [sflag:s23], $0x1F40  }
0xcc: {  	[sflag:s23] =	ssyncset.done $0x0  }
0xcd: {  	s14 =	simm.s32 $0xEB40;
	[sflag:s23] =	ssyncadd.s32 $0xFFFFE0C0  }
0xce: {  	[tilespmem:s24], [sflag:$0x3] =	stream.indirect.gather [hbm4b:s1+s20], $0x40, s14, s20, $0xb8;
	[tilespmem:$0x1F7C0] =	vst v63  }
0xcf: {  	_ =	swait.ge [sflag:s18], $0x1F40  }
0xd0: {  	[sflag:s18] =	ssyncset.done $0x0  }
0xd1: {  	s10 =	simm.s32 $0x13A40;
	[sflag:s18] =	ssyncadd.s32 $0xFFFFE0C0  }
0xd2: {  	[spmem:s3] =	stream.indirect.scatter.add.f32 [tilespmem:s16], [sflag:$0x7], $0x40, s10, s20, $0xb8;
	[tilespmem:$0x1F7C0] =	vst v63  }
0xd3: {  	_ =	swait.ge [sflag:s4], $0x1F40  }
0xd4: {  	[sflag:s4] =	ssyncset.done $0x0  }
0xd5: {  	s14 =	simm.s32 $0xEBC0;
	[sflag:s4] =	ssyncadd.s32 $0xFFFFE0C0  }
0xd6: {  	[tilespmem:s26], [sflag:$0x4] =	stream.indirect.gather [hbm4b:s1+s20], $0x40, s14, s20, $0xb8;
	[tilespmem:$0x1F7C0] =	vst v63  }
0xd7: {  	_ =	swait.ge [sflag:s19], $0x1F40  }
0xd8: {  	[sflag:s19] =	ssyncset.done $0x0  }
0xd9: {  	s10 =	simm.s32 $0x13AC0;
	[sflag:s19] =	ssyncadd.s32 $0xFFFFE0C0  }
0xda: {  	[spmem:s3] =	stream.indirect.scatter.add.f32 [tilespmem:s22], [sflag:$0x8], $0x40, s10, s20, $0xb8;
	[tilespmem:$0x1F7C0] =	vst v63  }
0xdb: {  	_ =	swait.ge [sflag:s5], $0x1F40  }
0xdc: {  	[sflag:s5] =	ssyncset.done $0x0  }
0xdd: {  	[sflag:s5] =	ssyncadd.s32 $0xFFFFE0C0  }
0xde: {  	_ =	swait.ge [sflag:s21], $0x1F40  }
0xdf: {  	[sflag:s21] =	ssyncset.done $0x0  }
0xe0: {  	s14 =	simm.s32 $0x13B40;
	[sflag:s21] =	ssyncadd.s32 $0xFFFFE0C0  }
0xe1: {  	[spmem:s3] =	stream.indirect.scatter.add.f32 [tilespmem:s24], [sflag:$0x9], $0x40, s14, s20, $0xb8;
	[tilespmem:$0x1F7C0] =	vst v63  }
0xe2: {  	_ =	swait.ge [sflag:s7], $0x1F40  }
0xe3: {  	[sflag:s7] =	ssyncset.done $0x0  }
0xe4: {  	[sflag:s7] =	ssyncadd.s32 $0xFFFFE0C0  }
0xe5: {  	_ =	swait.ge [sflag:s0], $0x1F40  }
0xe6: {  	[sflag:s0] =	ssyncset.done $0x0  }
0xe7: {  	s10 =	simm.s32 $0x13BC0;
	[sflag:s0] =	ssyncadd.s32 $0xFFFFE0C0  }
0xe8: {  	[spmem:s3] =	stream.indirect.scatter.add.f32 [tilespmem:s26], [sflag:$0xA], $0x40, s10, s20, $0xb8;
	[tilespmem:$0x1F7C0] =	vst v63  }
0xe9: {  	_ =	swait.ge [sflag:s25], $0x1F40  }
0xea: {  	[sflag:s25] =	ssyncset.done $0x0  }
0xeb: {  	[sflag:s25] =	ssyncadd.s32 $0xFFFFE0C0  }
0xec: {  	_ =	swait.ge [sflag:s30], $0x1F40  }
0xed: {  	[sflag:s30] =	ssyncset.done $0x0  }
0xee: {  	[sflag:s30] =	ssyncadd.s32 $0xFFFFE0C0  }
0xef: {  	_ =	swait.ge [sflag:s23], $0x1F40  }
0xf0: {  	[sflag:s23] =	ssyncset.done $0x0  }
0xf1: {  	[sflag:s23] =	ssyncadd.s32 $0xFFFFE0C0  }
0xf2: {  	s8 =	sadd.s32 $0x1, s8;
	s14 =	stileid.u32;
	_ =	swait.ge [sflag:s4], $0x1F40  }
0xf3: {  	p0 =	sne.s32 s8, s13;
	s9 =	sshll.u32 s14, $0x6;
	[sflag:s4] =	ssyncset.done $0x0  }
0xf4: {  	s14 =	simm.s32 $0x10;
	s9 =	sor.u32 $0x1C0D, s9;
	[sflag:s4] =	ssyncadd.s32 $0xFFFFE0C0  }
.Ltmp2:
0xf5: {  	s10 =	sshrl.u32 s6, $0x3;
	[bflag:$0x0] =	sbarrier.arrive $0xFFFF;
	(pc) =	sbr.rel @p0 .LBB2_1-.Ltmp2, $4  }
0xf6: {  	[hbm:s12@s14], [sflag:s9] =	dma.strided [spmem:s10@s30], $0x1388, s18, $0x8   }
0xf7: {  	_ =	swait.ge [sflag:s17], $0x1388  }
0xf8: {  	[sflag:s17] =	ssyncset.done $0x0  }
0xf9: {  	[sflag:s17] =	ssyncadd.s32 $0xFFFFEC78  }
0xfa: {  	_ =	sfence.sel $0x180000  }
0xfb: {  	[bflag:$0x0] =	sbarrier.arrive $0xFFFF  }
0xfc: {  	_ =	strace $0x90000047  }
0xfd: {  	s0 =	stileid.u32;
	[bflag:$0x2] =	sbarrier.arrive $0xFFFF  }
0xfe: {  	p0 =	sne.s32 s0, $0x0;
	s0 =	rddreg [dreg:$0x3]  }
0xff: {  	s0 =	sadd.s32 @!p0 $0x100000, s0  }
0x100: {  	[sflag:s0] =	ssyncadd.tile.s32 @!p0 $0x1;
	_ =	shalt  }
.Lfunc_end2:
_tile_overlayer_lowered:
.L_overlay_start_2:
0x101: {  	(tag) =	ssettag $0x2  }
0x102: {  	s0 =	rddreg [dreg:$0x0];
	s2 =	stileid.u32  }
0x103: {  	s1 =	rddreg [dreg:$0x1];
	p0 =	sne.s32 s2, $0x0  }
0x104: {  	s3 =	rddreg [dreg:$0x2];
	[bflag:$0x3] =	sbarrier.arrive $0xFFFF;
	s2 =	simm.s32 @!p0 $0x1C0D  }
0x105: {  	[timem:s3], [sflag:s2] =	dma.local @!p0 [hbm:s0], s1  }
0x106: {  	s0 =	simm.s32 @!p0 $0xD  }
0x107: {  	_ =	swait.ge @!p0 [sflag:s0], s1  }
0x108: {  	s1 =	ssub.s32 @!p0 $0x0, s1;
	[sflag:s0] =	ssyncset.done @!p0 $0x0  }
0x109: {  	[sflag:s0] =	ssyncadd.s32 @!p0 s1  }
0x10a: {  	[bflag:$0x3] =	sbarrier.arrive $0xFFFF  }
0x10b: {  	_ =	shalt  }

</sc_bundles>
